<compile_context>
chip_gen: v7x
topology: tpu7x:2x2x1
jax: 0.10.2.dev20260603
libtpu: 0.0.44.dev20260713+nightly
codegen_flags: <defaults>
</compile_context>

<pallas_src>
import functools

import jax
import jax.numpy as jnp
from jax import lax
from jax.experimental import pallas as pl
from jax.experimental.pallas import tpu as pltpu
from jax.experimental.pallas import tpu_sc as plsc

N = 10000
N_PAD = 10240
E = 320000
D_H = 128
NC = 2
NS = 16
NW = NC * NS
CHUNK = 80
NCHUNK = (E // NW) // CHUNK
ROWS_PER_TILE = N_PAD // NS
DEG_W = 16


DEG_DEPTH = 8


def _deg_body(dst3_hbm, z16_hbm, ones_hbm, out_hbm, table, idx, ones, *sems):
  cid = lax.axis_index("c")
  sid = lax.axis_index("s")
  wid = cid * NS + sid

  pltpu.sync_copy(ones_hbm, ones)
  pltpu.sync_copy(dst3_hbm.at[wid], idx)
  pltpu.sync_copy(z16_hbm, table.at[pl.ds(sid * ROWS_PER_TILE, ROWS_PER_TILE)])
  plsc.subcore_barrier()

  def start(i, k):
    pltpu.make_async_copy(ones, table.at[idx.at[i]], sems[k]).start(add=True)

  def wait(k):
    pltpu.make_async_copy(ones, table.at[idx.at[0]], sems[k]).wait()

  for k in range(DEG_DEPTH):
    start(k, k)

  def body(g, _):
    for k in range(DEG_DEPTH):
      wait(k)
      start(DEG_DEPTH * g + k, k)
    return _
  nsteady = (NCHUNK - DEG_DEPTH) // DEG_DEPTH
  lax.fori_loop(1, 1 + nsteady, body, None)
  for i in range(DEG_DEPTH + nsteady * DEG_DEPTH, NCHUNK):
    k = i % DEG_DEPTH
    wait(k)
    start(i, k)
  for k in range(DEG_DEPTH):
    wait(k)

  plsc.subcore_barrier()
  pltpu.sync_copy(table.at[pl.ds(sid * ROWS_PER_TILE, ROWS_PER_TILE)],
                  out_hbm.at[cid, pl.ds(sid * ROWS_PER_TILE, ROWS_PER_TILE)])


@functools.lru_cache(maxsize=None)
def _deg_sc_build():
  return pl.kernel(
    _deg_body,
    out_type=jax.ShapeDtypeStruct((NC, N_PAD, DEG_W), jnp.float32),
    mesh=plsc.VectorSubcoreMesh(core_axis_name="c", subcore_axis_name="s", num_cores=NC, num_subcores=NS),
    scratch_types=[
        pltpu.VMEM_SHARED((N_PAD, DEG_W), jnp.float32),
        pltpu.VMEM((NCHUNK, CHUNK), jnp.int32),
        pltpu.VMEM((CHUNK, DEG_W), jnp.float32),
    ] + [pltpu.SemaphoreType.DMA] * DEG_DEPTH,
    compiler_params=pltpu.CompilerParams(use_tc_tiling_on_sc=False),
  )


AGG_NBUF = 2


def _agg_body(hid_hbm, src3_hbm, dst3_hbm, z128_hbm, out_hbm,
              acc, idx_s, idx_d, rows, *sems):
  cid = lax.axis_index("c")
  sid = lax.axis_index("s")
  wid = cid * NS + sid
  sg = sems[:AGG_NBUF]
  ss = sems[AGG_NBUF:]

  pltpu.sync_copy(src3_hbm.at[wid], idx_s)
  pltpu.sync_copy(dst3_hbm.at[wid], idx_d)
  pltpu.sync_copy(z128_hbm, acc.at[pl.ds(sid * ROWS_PER_TILE, ROWS_PER_TILE)])
  plsc.subcore_barrier()

  def g_start(i, b):
    pltpu.make_async_copy(hid_hbm.at[idx_s.at[i]], rows.at[b], sg[b]).start()

  def g_wait(i, b):
    pltpu.make_async_copy(hid_hbm.at[idx_s.at[i]], rows.at[b], sg[b]).wait()

  def s_start(i, b):
    pltpu.make_async_copy(rows.at[b], acc.at[idx_d.at[i]], ss[b]).start(add=True)

  def s_wait(i, b):
    pltpu.make_async_copy(rows.at[b], acc.at[idx_d.at[i]], ss[b]).wait()

  def step(i, bcur, bnext):
    nxt = jnp.where(i + 1 < NCHUNK, i + 1, 0)
    g_start(nxt, bnext)
    g_wait(i, bcur)
    s_start(i, bcur)
    s_wait(i, bcur)

  g_start(0, 0)

  def body(g, _):
    step(2 * g, 0, 1)
    step(2 * g + 1, 1, 0)
    return _
  lax.fori_loop(0, NCHUNK // 2, body, None)
  for i in range(2 * (NCHUNK // 2), NCHUNK):
    step(i, i % 2, (i + 1) % 2)
  g_wait(0, NCHUNK % 2)

  plsc.subcore_barrier()
  pltpu.sync_copy(acc.at[pl.ds(sid * ROWS_PER_TILE, ROWS_PER_TILE)],
                  out_hbm.at[cid, pl.ds(sid * ROWS_PER_TILE, ROWS_PER_TILE)])


@functools.lru_cache(maxsize=None)
def _agg_sc_build():
  return pl.kernel(
    _agg_body,
    out_type=jax.ShapeDtypeStruct((NC, N_PAD, D_H), jnp.float32),
    mesh=plsc.VectorSubcoreMesh(core_axis_name="c", subcore_axis_name="s", num_cores=NC, num_subcores=NS),
    scratch_types=[
        pltpu.VMEM_SHARED((N_PAD, D_H), jnp.float32),
        pltpu.VMEM((NCHUNK, CHUNK), jnp.int32),
        pltpu.VMEM((NCHUNK, CHUNK), jnp.int32),
        pltpu.VMEM((AGG_NBUF, CHUNK, D_H), jnp.float32),
    ] + [pltpu.SemaphoreType.DMA] * (2 * AGG_NBUF),
    compiler_params=pltpu.CompilerParams(use_tc_tiling_on_sc=False),
  )


ROW_BLK = 2000


def _fc_body(x_ref, w_ref, b_ref, degp_ref, out_ref):
  deg = degp_ref[0][:, 0:1] + degp_ref[1][:, 0:1] + 1.0
  dinv = lax.rsqrt(deg)
  h = jnp.maximum(
      jnp.dot(x_ref[...], w_ref[...], preferred_element_type=jnp.float32)
      + b_ref[...], 0.0)
  out_ref[...] = h * dinv


def _fc_tc(x, w, b, degp):
  return pl.pallas_call(
      _fc_body,
      grid=(N // ROW_BLK,),
      in_specs=[
          pl.BlockSpec((ROW_BLK, D_H), lambda i: (i, 0)),
          pl.BlockSpec((D_H, D_H), lambda i: (0, 0)),
          pl.BlockSpec((1, D_H), lambda i: (0, 0)),
          pl.BlockSpec((NC, ROW_BLK, DEG_W), lambda i: (0, i, 0)),
      ],
      out_specs=pl.BlockSpec((ROW_BLK, D_H), lambda i: (i, 0)),
      out_shape=jax.ShapeDtypeStruct((N, D_H), jnp.float32),
  )(x, w, b, degp)


D_OUT = 74


def _final_body(p_ref, hid_ref, degp_ref, w1_ref, b1_ref, w2_ref, b2_ref,
                mu_ref, ls_ref):
  deg = degp_ref[0][:, 0:1] + degp_ref[1][:, 0:1] + 1.0
  dinv = lax.rsqrt(deg)
  agg = (p_ref[0] + p_ref[1] + hid_ref[...]) * dinv
  mu_ref[...] = (
      jnp.dot(agg, w1_ref[...], preferred_element_type=jnp.float32)
      + b1_ref[...])
  ls_ref[...] = (
      jnp.dot(agg, w2_ref[...], preferred_element_type=jnp.float32)
      + b2_ref[...])


def _final_tc(parts, hid, degp, w1, b1, w2, b2):
  return pl.pallas_call(
      _final_body,
      grid=(N // ROW_BLK,),
      in_specs=[
          pl.BlockSpec((NC, ROW_BLK, D_H), lambda i: (0, i, 0)),
          pl.BlockSpec((ROW_BLK, D_H), lambda i: (i, 0)),
          pl.BlockSpec((NC, ROW_BLK, DEG_W), lambda i: (0, i, 0)),
          pl.BlockSpec((D_H, D_OUT), lambda i: (0, 0)),
          pl.BlockSpec((1, D_OUT), lambda i: (0, 0)),
          pl.BlockSpec((D_H, D_OUT), lambda i: (0, 0)),
          pl.BlockSpec((1, D_OUT), lambda i: (0, 0)),
      ],
      out_specs=[
          pl.BlockSpec((ROW_BLK, D_OUT), lambda i: (i, 0)),
          pl.BlockSpec((ROW_BLK, D_OUT), lambda i: (i, 0)),
      ],
      out_shape=[
          jax.ShapeDtypeStruct((N, D_OUT), jnp.float32),
          jax.ShapeDtypeStruct((N, D_OUT), jnp.float32),
      ],
  )(parts, hid, degp, w1, b1, w2, b2)


@jax.jit
def kernel(x, edge_index, W_fc, b_fc, W_mu, b_mu, W_ls, b_ls,
           W_amu, b_amu, W_als, b_als):
  src3 = edge_index[0].reshape(NW, NCHUNK, CHUNK)
  dst3 = edge_index[1].reshape(NW, NCHUNK, CHUNK)

  z16 = jnp.zeros((ROWS_PER_TILE, DEG_W), jnp.float32)
  z128 = jnp.zeros((ROWS_PER_TILE, D_H), jnp.float32)

  degp = _deg_sc_build()(dst3, z16, jnp.ones((CHUNK, DEG_W), jnp.float32))
  hid = _fc_tc(x, W_fc, b_fc.reshape(1, D_H), degp)
  parts = _agg_sc_build()(hid, src3, dst3, z128)

  w1 = jnp.concatenate([W_mu, W_amu], axis=1)
  b1 = jnp.concatenate([b_mu, b_amu]).reshape(1, D_OUT)
  w2 = jnp.concatenate([W_ls, W_als], axis=1)
  b2 = jnp.concatenate([b_ls, b_als]).reshape(1, D_OUT)

  mu, logstd = _final_tc(parts, hid, degp, w1, b1, w2, b2)
  return (mu, logstd)

# --- scband reference (transcript-rebuilt; emitter-appended) ---
"""Pipeline reference for scband-encoder-69509750718547 (READ-ONLY COPY).

The authoritative reference and input builder live on the scoring server;
editing this copy changes nothing except your own understanding.
"""

import jax, jax.numpy as jnp
import numpy as np

N = 10000
E = 320000
D_IN = 128
D_H = 128
D_LAT = 64
D_ADD = 10


def setup_inputs(seed: int = 0) -> dict:
    key = jax.random.key(seed)
    ks = jax.random.split(key, 12)
    x = jax.random.normal(ks[0], (N, D_IN), dtype=jnp.float32)
    edge_index = jax.random.randint(ks[1], (2, E), 0, N, dtype=jnp.int32)
    s_in = 1.0 / np.sqrt(D_IN)
    s_h = 1.0 / np.sqrt(D_H)
    W_fc = jax.random.normal(ks[2], (D_IN, D_H), dtype=jnp.float32) * s_in
    b_fc = jnp.zeros((D_H,), dtype=jnp.float32)
    W_mu = jax.random.normal(ks[3], (D_H, D_LAT), dtype=jnp.float32) * s_h
    b_mu = jnp.zeros((D_LAT,), dtype=jnp.float32)
    W_ls = jax.random.normal(ks[4], (D_H, D_LAT), dtype=jnp.float32) * s_h
    b_ls = jnp.zeros((D_LAT,), dtype=jnp.float32)
    W_amu = jax.random.normal(ks[5], (D_H, D_ADD), dtype=jnp.float32) * s_h
    b_amu = jnp.zeros((D_ADD,), dtype=jnp.float32)
    W_als = jax.random.normal(ks[6], (D_H, D_ADD), dtype=jnp.float32) * s_h
    b_als = jnp.zeros((D_ADD,), dtype=jnp.float32)
    return {"x": x, "edge_index": edge_index, "W_fc": W_fc, "b_fc": b_fc,
            "W_mu": W_mu, "b_mu": b_mu, "W_ls": W_ls, "b_ls": b_ls,
            "W_amu": W_amu, "b_amu": b_amu, "W_als": W_als, "b_als": b_als}


def _gcn_conv(h, W, b, src, dst, norm):
    # GCNConv: linear transform, normalized gather from src, scatter-add to dst, bias
    xt = h @ W
    msg = jnp.take(xt, src, axis=0) * norm[:, None]
    agg = jax.ops.segment_sum(msg, dst, num_segments=N)
    return agg + b


def reference(x, edge_index, W_fc, b_fc, W_mu, b_mu, W_ls, b_ls, W_amu, b_amu, W_als, b_als):
    # add self-loops (PyG GCNConv default)
    loop = jnp.arange(N, dtype=edge_index.dtype)
    src = jnp.concatenate([edge_index[0], loop])
    dst = jnp.concatenate([edge_index[1], loop])
    # symmetric normalization deg^{-1/2} A_hat deg^{-1/2}
    deg = jax.ops.segment_sum(jnp.ones_like(dst, dtype=jnp.float32), dst, num_segments=N)
    dinv = jnp.where(deg > 0, jax.lax.rsqrt(jnp.maximum(deg, 1e-12)), 0.0)
    norm = jnp.take(dinv, src) * jnp.take(dinv, dst)
    # fc + activation (dropout_rate=0.0 -> identity in eval)
    hidden = jax.nn.relu(x @ W_fc + b_fc)
    mu = jnp.concatenate([
        _gcn_conv(hidden, W_mu, b_mu, src, dst, norm),
        _gcn_conv(hidden, W_amu, b_amu, src, dst, norm)], axis=1)
    logstd = jnp.concatenate([
        _gcn_conv(hidden, W_ls, b_ls, src, dst, norm),
        _gcn_conv(hidden, W_als, b_als, src, dst, norm)], axis=1)
    return (mu, logstd)

if __name__ == "__main__":
    import jax
    _d = setup_inputs()
    print(jax.jit(kernel)(*tuple(_d.values())))

</pallas_src>

<mosaic_0001>
#map = affine_map<(d0, d1) -> (0, 0)>
#map1 = affine_map<(d0, d1) -> (0, 0, 0)>
module attributes {stable_mosaic.version = 14 : i64} {
  func.func @_agg_body(%arg0: i32, %arg1: i32, %arg2: memref<10000x128xf32, #tpu.memory_space<hbm>>, %arg3: memref<32x125x80xi32, #tpu.memory_space<hbm>>, %arg4: memref<32x125x80xi32, #tpu.memory_space<hbm>>, %arg5: memref<640x128xf32, #tpu.memory_space<hbm>>, %arg6: memref<2x10240x128xf32, #tpu.memory_space<hbm>>, %arg7: memref<10240x128xf32, #tpu.memory_space<vmem_shared>>, %arg8: memref<125x80xi32, #tpu.memory_space<vmem>>, %arg9: memref<125x80xi32, #tpu.memory_space<vmem>>, %arg10: memref<2x80x128xf32, #tpu.memory_space<vmem>>, %arg11: memref<!tpu.dma_semaphore, #tpu.memory_space<semaphore_mem>>, %arg12: memref<!tpu.dma_semaphore, #tpu.memory_space<semaphore_mem>>, %arg13: memref<!tpu.dma_semaphore, #tpu.memory_space<semaphore_mem>>, %arg14: memref<!tpu.dma_semaphore, #tpu.memory_space<semaphore_mem>>) attributes {dimension_semantics = [#tpu.dimension_semantics<core_parallel>, #tpu.dimension_semantics<subcore_parallel>], iteration_bounds = array<i64: 2, 16>, scalar_prefetch = 0 : i64, scratch_operands = 8 : i64, tpu.core_type = #tpu.core_type<sc_vector_subcore>, window_params = [{transform_indices = #map}, {transform_indices = #map1}, {transform_indices = #map1}, {transform_indices = #map}, {transform_indices = #map1}]} {
    %mul3A = arith.constant 16 : i32
    %mul3A_0 = arith.muli %arg0, %mul3A : i32
    %add3A = arith.addi %mul3A_0, %arg1 : i32
    "tpu.region"() ({
      %run_scoped3A = tpu.sem_alloc : memref<!tpu.dma_semaphore, #tpu.memory_space<semaphore_mem>>
      %dma_start3A_83 = arith.constant 0 : i32
      %dma_start3A_84 = arith.constant 0 : i32
      %dma_start3A_85 = tpu.memref_slice %arg3[%add3A, %dma_start3A_83, %dma_start3A_84] : memref<32x125x80xi32, #tpu.memory_space<hbm>> -> memref<1x125x80xi32, #tpu.memory_space<hbm>>
      %dma_start3A_86 = tpu.memref_squeeze %dma_start3A_85 : memref<1x125x80xi32, #tpu.memory_space<hbm>> -> memref<125x80xi32, #tpu.memory_space<hbm>>
      %dma_start3A_87 = arith.constant 0 : i32
      %dma_start3A_88 = arith.constant 0 : i32
      %dma_start3A_89 = tpu.memref_slice %arg3[%add3A, %dma_start3A_87, %dma_start3A_88] : memref<32x125x80xi32, #tpu.memory_space<hbm>> -> memref<1x125x80xi32, #tpu.memory_space<hbm>>
      %dma_start3A_90 = tpu.memref_squeeze %dma_start3A_89 : memref<1x125x80xi32, #tpu.memory_space<hbm>> -> memref<125x80xi32, #tpu.memory_space<hbm>>
      tpu.enqueue_dma source(%dma_start3A_90 : memref<125x80xi32, #tpu.memory_space<hbm>>) target(%arg8 : memref<125x80xi32, #tpu.memory_space<vmem>>) target_semaphore(%run_scoped3A : memref<!tpu.dma_semaphore, #tpu.memory_space<semaphore_mem>>)
      %dma_wait3A_91 = arith.constant 0 : i32
      %dma_wait3A_92 = arith.constant 0 : i32
      %dma_wait3A_93 = tpu.memref_slice %arg3[%add3A, %dma_wait3A_91, %dma_wait3A_92] : memref<32x125x80xi32, #tpu.memory_space<hbm>> -> memref<1x125x80xi32, #tpu.memory_space<hbm>>
      %dma_wait3A_94 = tpu.memref_squeeze %dma_wait3A_93 : memref<1x125x80xi32, #tpu.memory_space<hbm>> -> memref<125x80xi32, #tpu.memory_space<hbm>>
      %dma_wait3A_95 = arith.constant 0 : i32
      %dma_wait3A_96 = arith.constant 0 : i32
      %dma_wait3A_97 = tpu.memref_slice %arg3[%add3A, %dma_wait3A_95, %dma_wait3A_96] : memref<32x125x80xi32, #tpu.memory_space<hbm>> -> memref<1x125x80xi32, #tpu.memory_space<hbm>>
      %dma_wait3A_98 = tpu.memref_squeeze %dma_wait3A_97 : memref<1x125x80xi32, #tpu.memory_space<hbm>> -> memref<125x80xi32, #tpu.memory_space<hbm>>
      tpu.wait_dma2 semaphore(%run_scoped3A : memref<!tpu.dma_semaphore, #tpu.memory_space<semaphore_mem>>) src(%dma_wait3A_98 : memref<125x80xi32, #tpu.memory_space<hbm>>) dst(%arg8 : memref<125x80xi32, #tpu.memory_space<vmem>>)
      tpu.yield
    }) : () -> ()
    "tpu.region"() ({
      %run_scoped3A = tpu.sem_alloc : memref<!tpu.dma_semaphore, #tpu.memory_space<semaphore_mem>>
      %dma_start3A_83 = arith.constant 0 : i32
      %dma_start3A_84 = arith.constant 0 : i32
      %dma_start3A_85 = tpu.memref_slice %arg4[%add3A, %dma_start3A_83, %dma_start3A_84] : memref<32x125x80xi32, #tpu.memory_space<hbm>> -> memref<1x125x80xi32, #tpu.memory_space<hbm>>
      %dma_start3A_86 = tpu.memref_squeeze %dma_start3A_85 : memref<1x125x80xi32, #tpu.memory_space<hbm>> -> memref<125x80xi32, #tpu.memory_space<hbm>>
      %dma_start3A_87 = arith.constant 0 : i32
      %dma_start3A_88 = arith.constant 0 : i32
      %dma_start3A_89 = tpu.memref_slice %arg4[%add3A, %dma_start3A_87, %dma_start3A_88] : memref<32x125x80xi32, #tpu.memory_space<hbm>> -> memref<1x125x80xi32, #tpu.memory_space<hbm>>
      %dma_start3A_90 = tpu.memref_squeeze %dma_start3A_89 : memref<1x125x80xi32, #tpu.memory_space<hbm>> -> memref<125x80xi32, #tpu.memory_space<hbm>>
      tpu.enqueue_dma source(%dma_start3A_90 : memref<125x80xi32, #tpu.memory_space<hbm>>) target(%arg9 : memref<125x80xi32, #tpu.memory_space<vmem>>) target_semaphore(%run_scoped3A : memref<!tpu.dma_semaphore, #tpu.memory_space<semaphore_mem>>)
      %dma_wait3A_91 = arith.constant 0 : i32
      %dma_wait3A_92 = arith.constant 0 : i32
      %dma_wait3A_93 = tpu.memref_slice %arg4[%add3A, %dma_wait3A_91, %dma_wait3A_92] : memref<32x125x80xi32, #tpu.memory_space<hbm>> -> memref<1x125x80xi32, #tpu.memory_space<hbm>>
      %dma_wait3A_94 = tpu.memref_squeeze %dma_wait3A_93 : memref<1x125x80xi32, #tpu.memory_space<hbm>> -> memref<125x80xi32, #tpu.memory_space<hbm>>
      %dma_wait3A_95 = arith.constant 0 : i32
      %dma_wait3A_96 = arith.constant 0 : i32
      %dma_wait3A_97 = tpu.memref_slice %arg4[%add3A, %dma_wait3A_95, %dma_wait3A_96] : memref<32x125x80xi32, #tpu.memory_space<hbm>> -> memref<1x125x80xi32, #tpu.memory_space<hbm>>
      %dma_wait3A_98 = tpu.memref_squeeze %dma_wait3A_97 : memref<1x125x80xi32, #tpu.memory_space<hbm>> -> memref<125x80xi32, #tpu.memory_space<hbm>>
      tpu.wait_dma2 semaphore(%run_scoped3A : memref<!tpu.dma_semaphore, #tpu.memory_space<semaphore_mem>>) src(%dma_wait3A_98 : memref<125x80xi32, #tpu.memory_space<hbm>>) dst(%arg9 : memref<125x80xi32, #tpu.memory_space<vmem>>)
      tpu.yield
    }) : () -> ()
    %mul3A_1 = arith.constant 640 : i32
    %mul3A_2 = arith.muli %arg1, %mul3A_1 : i32
    "tpu.region"() ({
      %run_scoped3A = tpu.sem_alloc : memref<!tpu.dma_semaphore, #tpu.memory_space<semaphore_mem>>
      %dma_start3A_83 = arith.constant 0 : i32
      %dma_start3A_84 = tpu.memref_slice %arg7[%mul3A_2, %dma_start3A_83] : memref<10240x128xf32, #tpu.memory_space<vmem_shared>> -> memref<640x128xf32, #tpu.memory_space<vmem_shared>>
      tpu.enqueue_dma source(%arg5 : memref<640x128xf32, #tpu.memory_space<hbm>>) target(%dma_start3A_84 : memref<640x128xf32, #tpu.memory_space<vmem_shared>>) target_semaphore(%run_scoped3A : memref<!tpu.dma_semaphore, #tpu.memory_space<semaphore_mem>>)
      %dma_wait3A_85 = arith.constant 0 : i32
      %dma_wait3A_86 = tpu.memref_slice %arg7[%mul3A_2, %dma_wait3A_85] : memref<10240x128xf32, #tpu.memory_space<vmem_shared>> -> memref<640x128xf32, #tpu.memory_space<vmem_shared>>
      tpu.wait_dma2 semaphore(%run_scoped3A : memref<!tpu.dma_semaphore, #tpu.memory_space<semaphore_mem>>) src(%arg5 : memref<640x128xf32, #tpu.memory_space<hbm>>) dst(%dma_wait3A_86 : memref<640x128xf32, #tpu.memory_space<vmem_shared>>)
      tpu.yield
    }) : () -> ()
    %barrier3A = arith.constant 0 : index
    tpu.barrier barrier_id(%barrier3A)
    %dma_start3A = arith.constant 0 : i32
    %dma_start3A_3 = arith.constant 0 : i32
    %dma_start3A_4 = arith.constant 0 : i32
    %dma_start3A_5 = arith.constant 0 : i32
    %dma_start3A_6 = tpu.memref_slice %arg10[%dma_start3A_3, %dma_start3A_4, %dma_start3A_5] : memref<2x80x128xf32, #tpu.memory_space<vmem>> -> memref<1x80x128xf32, #tpu.memory_space<vmem>>
    %dma_start3A_7 = tpu.memref_squeeze %dma_start3A_6 : memref<1x80x128xf32, #tpu.memory_space<vmem>> -> memref<80x128xf32, #tpu.memory_space<vmem>>
    %dma_start3A_8 = arith.constant 0 : i32
    %dma_start3A_9 = tpu.memref_slice %arg8[%dma_start3A, %dma_start3A_8] : memref<125x80xi32, #tpu.memory_space<vmem>> -> memref<1x80xi32, #tpu.memory_space<vmem>>
    %dma_start3A_10 = tpu.memref_squeeze %dma_start3A_9 : memref<1x80xi32, #tpu.memory_space<vmem>> -> memref<80xi32, #tpu.memory_space<vmem>>
    %dma_start3A_11 = arith.constant 0 : i32
    %dma_start3A_12 = arith.constant 0 : i32
    %dma_start3A_13 = tpu.memref_slice %arg2[%dma_start3A_11, %dma_start3A_12] : memref<10000x128xf32, #tpu.memory_space<hbm>> -> memref<10000x128xf32, #tpu.memory_space<hbm>>
    tpu.enqueue_indirect_dma source(%dma_start3A_13 : memref<10000x128xf32, #tpu.memory_space<hbm>>) target(%dma_start3A_7 : memref<80x128xf32, #tpu.memory_space<vmem>>) offsets(%dma_start3A_10 : memref<80xi32, #tpu.memory_space<vmem>>) semaphore(%arg11 : memref<!tpu.dma_semaphore, #tpu.memory_space<semaphore_mem>>)
    %scan3A = arith.constant 0 : i32
    %scan3A_14 = arith.constant 62 : i32
    %scan3A_15 = arith.addi %scan3A, %scan3A_14 : i32
    %scan3A_16 = arith.constant 1 : i32
    scf.for %scan3A_83 = %scan3A to %scan3A_15 step %scan3A_16  : i32 {
      %mul3A_84 = arith.constant 2 : i32
      %mul3A_85 = arith.muli %mul3A_84, %scan3A_83 : i32
      %add3A_86 = arith.constant 1 : i32
      %add3A_87 = arith.addi %mul3A_85, %add3A_86 : i32
      %lt3A = arith.constant 125 : i32
      %lt3A_88 = arith.cmpi slt, %add3A_87, %lt3A : i32
      %add3A_89 = arith.constant 1 : i32
      %add3A_90 = arith.addi %mul3A_85, %add3A_89 : i32
      %jit3A_91 = arith.constant 0 : i32
      %select_n3A_92 = arith.select %lt3A_88, %add3A_90, %jit3A_91 : i32
      %dma_start3A_93 = arith.constant 1 : i32
      %dma_start3A_94 = arith.constant 0 : i32
      %dma_start3A_95 = arith.constant 0 : i32
      %dma_start3A_96 = tpu.memref_slice %arg10[%dma_start3A_93, %dma_start3A_94, %dma_start3A_95] : memref<2x80x128xf32, #tpu.memory_space<vmem>> -> memref<1x80x128xf32, #tpu.memory_space<vmem>>
      %dma_start3A_97 = tpu.memref_squeeze %dma_start3A_96 : memref<1x80x128xf32, #tpu.memory_space<vmem>> -> memref<80x128xf32, #tpu.memory_space<vmem>>
      %dma_start3A_98 = arith.constant 0 : i32
      %dma_start3A_99 = tpu.memref_slice %arg8[%select_n3A_92, %dma_start3A_98] : memref<125x80xi32, #tpu.memory_space<vmem>> -> memref<1x80xi32, #tpu.memory_space<vmem>>
      %dma_start3A_100 = tpu.memref_squeeze %dma_start3A_99 : memref<1x80xi32, #tpu.memory_space<vmem>> -> memref<80xi32, #tpu.memory_space<vmem>>
      %dma_start3A_101 = arith.constant 0 : i32
      %dma_start3A_102 = arith.constant 0 : i32
      %dma_start3A_103 = tpu.memref_slice %arg2[%dma_start3A_101, %dma_start3A_102] : memref<10000x128xf32, #tpu.memory_space<hbm>> -> memref<10000x128xf32, #tpu.memory_space<hbm>>
      tpu.enqueue_indirect_dma source(%dma_start3A_103 : memref<10000x128xf32, #tpu.memory_space<hbm>>) target(%dma_start3A_97 : memref<80x128xf32, #tpu.memory_space<vmem>>) offsets(%dma_start3A_100 : memref<80xi32, #tpu.memory_space<vmem>>) semaphore(%arg12 : memref<!tpu.dma_semaphore, #tpu.memory_space<semaphore_mem>>)
      %dma_wait3A_104 = arith.constant 0 : i32
      %dma_wait3A_105 = arith.constant 0 : i32
      %dma_wait3A_106 = arith.constant 0 : i32
      %dma_wait3A_107 = tpu.memref_slice %arg10[%dma_wait3A_104, %dma_wait3A_105, %dma_wait3A_106] : memref<2x80x128xf32, #tpu.memory_space<vmem>> -> memref<1x80x128xf32, #tpu.memory_space<vmem>>
      %dma_wait3A_108 = tpu.memref_squeeze %dma_wait3A_107 : memref<1x80x128xf32, #tpu.memory_space<vmem>> -> memref<80x128xf32, #tpu.memory_space<vmem>>
      %dma_wait3A_109 = arith.constant 0 : i32
      %dma_wait3A_110 = tpu.memref_slice %arg8[%mul3A_85, %dma_wait3A_109] : memref<125x80xi32, #tpu.memory_space<vmem>> -> memref<1x80xi32, #tpu.memory_space<vmem>>
      %dma_wait3A_111 = tpu.memref_squeeze %dma_wait3A_110 : memref<1x80xi32, #tpu.memory_space<vmem>> -> memref<80xi32, #tpu.memory_space<vmem>>
      %dma_wait3A_112 = arith.constant 0 : i32
      %dma_wait3A_113 = arith.constant 0 : i32
      %dma_wait3A_114 = tpu.memref_slice %arg2[%dma_wait3A_112, %dma_wait3A_113] : memref<10000x128xf32, #tpu.memory_space<hbm>> -> memref<10000x128xf32, #tpu.memory_space<hbm>>
      tpu.wait_indirect_dma semaphore(%arg11 : memref<!tpu.dma_semaphore, #tpu.memory_space<semaphore_mem>>) src(%dma_wait3A_114 : memref<10000x128xf32, #tpu.memory_space<hbm>>) dst(%dma_wait3A_108 : memref<80x128xf32, #tpu.memory_space<vmem>>)
      %dma_start3A_115 = arith.constant 0 : i32
      %dma_start3A_116 = arith.constant 0 : i32
      %dma_start3A_117 = arith.constant 0 : i32
      %dma_start3A_118 = tpu.memref_slice %arg10[%dma_start3A_115, %dma_start3A_116, %dma_start3A_117] : memref<2x80x128xf32, #tpu.memory_space<vmem>> -> memref<1x80x128xf32, #tpu.memory_space<vmem>>
      %dma_start3A_119 = tpu.memref_squeeze %dma_start3A_118 : memref<1x80x128xf32, #tpu.memory_space<vmem>> -> memref<80x128xf32, #tpu.memory_space<vmem>>
      %dma_start3A_120 = arith.constant 0 : i32
      %dma_start3A_121 = tpu.memref_slice %arg9[%mul3A_85, %dma_start3A_120] : memref<125x80xi32, #tpu.memory_space<vmem>> -> memref<1x80xi32, #tpu.memory_space<vmem>>
      %dma_start3A_122 = tpu.memref_squeeze %dma_start3A_121 : memref<1x80xi32, #tpu.memory_space<vmem>> -> memref<80xi32, #tpu.memory_space<vmem>>
      %dma_start3A_123 = arith.constant 0 : i32
      %dma_start3A_124 = arith.constant 0 : i32
      %dma_start3A_125 = tpu.memref_slice %arg7[%dma_start3A_123, %dma_start3A_124] : memref<10240x128xf32, #tpu.memory_space<vmem_shared>> -> memref<10240x128xf32, #tpu.memory_space<vmem_shared>>
      tpu.enqueue_indirect_dma source(%dma_start3A_119 : memref<80x128xf32, #tpu.memory_space<vmem>>) target(%dma_start3A_125 : memref<10240x128xf32, #tpu.memory_space<vmem_shared>>) offsets(%dma_start3A_122 : memref<80xi32, #tpu.memory_space<vmem>>) semaphore(%arg13 : memref<!tpu.dma_semaphore, #tpu.memory_space<semaphore_mem>>) {add = true}
      %dma_wait3A_126 = arith.constant 0 : i32
      %dma_wait3A_127 = arith.constant 0 : i32
      %dma_wait3A_128 = arith.constant 0 : i32
      %dma_wait3A_129 = tpu.memref_slice %arg10[%dma_wait3A_126, %dma_wait3A_127, %dma_wait3A_128] : memref<2x80x128xf32, #tpu.memory_space<vmem>> -> memref<1x80x128xf32, #tpu.memory_space<vmem>>
      %dma_wait3A_130 = tpu.memref_squeeze %dma_wait3A_129 : memref<1x80x128xf32, #tpu.memory_space<vmem>> -> memref<80x128xf32, #tpu.memory_space<vmem>>
      %dma_wait3A_131 = arith.constant 0 : i32
      %dma_wait3A_132 = tpu.memref_slice %arg9[%mul3A_85, %dma_wait3A_131] : memref<125x80xi32, #tpu.memory_space<vmem>> -> memref<1x80xi32, #tpu.memory_space<vmem>>
      %dma_wait3A_133 = tpu.memref_squeeze %dma_wait3A_132 : memref<1x80xi32, #tpu.memory_space<vmem>> -> memref<80xi32, #tpu.memory_space<vmem>>
      %dma_wait3A_134 = arith.constant 0 : i32
      %dma_wait3A_135 = arith.constant 0 : i32
      %dma_wait3A_136 = tpu.memref_slice %arg7[%dma_wait3A_134, %dma_wait3A_135] : memref<10240x128xf32, #tpu.memory_space<vmem_shared>> -> memref<10240x128xf32, #tpu.memory_space<vmem_shared>>
      tpu.wait_indirect_dma semaphore(%arg13 : memref<!tpu.dma_semaphore, #tpu.memory_space<semaphore_mem>>) src(%dma_wait3A_130 : memref<80x128xf32, #tpu.memory_space<vmem>>) dst(%dma_wait3A_136 : memref<10240x128xf32, #tpu.memory_space<vmem_shared>>)
      %mul3A_137 = arith.constant 2 : i32
      %mul3A_138 = arith.muli %mul3A_137, %scan3A_83 : i32
      %add3A_139 = arith.constant 1 : i32
      %add3A_140 = arith.addi %mul3A_138, %add3A_139 : i32
      %add3A_141 = arith.constant 1 : i32
      %add3A_142 = arith.addi %add3A_140, %add3A_141 : i32
      %lt3A_143 = arith.constant 125 : i32
      %lt3A_144 = arith.cmpi slt, %add3A_142, %lt3A_143 : i32
      %add3A_145 = arith.constant 1 : i32
      %add3A_146 = arith.addi %add3A_140, %add3A_145 : i32
      %jit3A_147 = arith.constant 0 : i32
      %select_n3A_148 = arith.select %lt3A_144, %add3A_146, %jit3A_147 : i32
      %dma_start3A_149 = arith.constant 0 : i32
      %dma_start3A_150 = arith.constant 0 : i32
      %dma_start3A_151 = arith.constant 0 : i32
      %dma_start3A_152 = tpu.memref_slice %arg10[%dma_start3A_149, %dma_start3A_150, %dma_start3A_151] : memref<2x80x128xf32, #tpu.memory_space<vmem>> -> memref<1x80x128xf32, #tpu.memory_space<vmem>>
      %dma_start3A_153 = tpu.memref_squeeze %dma_start3A_152 : memref<1x80x128xf32, #tpu.memory_space<vmem>> -> memref<80x128xf32, #tpu.memory_space<vmem>>
      %dma_start3A_154 = arith.constant 0 : i32
      %dma_start3A_155 = tpu.memref_slice %arg8[%select_n3A_148, %dma_start3A_154] : memref<125x80xi32, #tpu.memory_space<vmem>> -> memref<1x80xi32, #tpu.memory_space<vmem>>
      %dma_start3A_156 = tpu.memref_squeeze %dma_start3A_155 : memref<1x80xi32, #tpu.memory_space<vmem>> -> memref<80xi32, #tpu.memory_space<vmem>>
      %dma_start3A_157 = arith.constant 0 : i32
      %dma_start3A_158 = arith.constant 0 : i32
      %dma_start3A_159 = tpu.memref_slice %arg2[%dma_start3A_157, %dma_start3A_158] : memref<10000x128xf32, #tpu.memory_space<hbm>> -> memref<10000x128xf32, #tpu.memory_space<hbm>>
      tpu.enqueue_indirect_dma source(%dma_start3A_159 : memref<10000x128xf32, #tpu.memory_space<hbm>>) target(%dma_start3A_153 : memref<80x128xf32, #tpu.memory_space<vmem>>) offsets(%dma_start3A_156 : memref<80xi32, #tpu.memory_space<vmem>>) semaphore(%arg11 : memref<!tpu.dma_semaphore, #tpu.memory_space<semaphore_mem>>)
      %dma_wait3A_160 = arith.constant 1 : i32
      %dma_wait3A_161 = arith.constant 0 : i32
      %dma_wait3A_162 = arith.constant 0 : i32
      %dma_wait3A_163 = tpu.memref_slice %arg10[%dma_wait3A_160, %dma_wait3A_161, %dma_wait3A_162] : memref<2x80x128xf32, #tpu.memory_space<vmem>> -> memref<1x80x128xf32, #tpu.memory_space<vmem>>
      %dma_wait3A_164 = tpu.memref_squeeze %dma_wait3A_163 : memref<1x80x128xf32, #tpu.memory_space<vmem>> -> memref<80x128xf32, #tpu.memory_space<vmem>>
      %dma_wait3A_165 = arith.constant 0 : i32
      %dma_wait3A_166 = tpu.memref_slice %arg8[%add3A_140, %dma_wait3A_165] : memref<125x80xi32, #tpu.memory_space<vmem>> -> memref<1x80xi32, #tpu.memory_space<vmem>>
      %dma_wait3A_167 = tpu.memref_squeeze %dma_wait3A_166 : memref<1x80xi32, #tpu.memory_space<vmem>> -> memref<80xi32, #tpu.memory_space<vmem>>
      %dma_wait3A_168 = arith.constant 0 : i32
      %dma_wait3A_169 = arith.constant 0 : i32
      %dma_wait3A_170 = tpu.memref_slice %arg2[%dma_wait3A_168, %dma_wait3A_169] : memref<10000x128xf32, #tpu.memory_space<hbm>> -> memref<10000x128xf32, #tpu.memory_space<hbm>>
      tpu.wait_indirect_dma semaphore(%arg12 : memref<!tpu.dma_semaphore, #tpu.memory_space<semaphore_mem>>) src(%dma_wait3A_170 : memref<10000x128xf32, #tpu.memory_space<hbm>>) dst(%dma_wait3A_164 : memref<80x128xf32, #tpu.memory_space<vmem>>)
      %dma_start3A_171 = arith.constant 1 : i32
      %dma_start3A_172 = arith.constant 0 : i32
      %dma_start3A_173 = arith.constant 0 : i32
      %dma_start3A_174 = tpu.memref_slice %arg10[%dma_start3A_171, %dma_start3A_172, %dma_start3A_173] : memref<2x80x128xf32, #tpu.memory_space<vmem>> -> memref<1x80x128xf32, #tpu.memory_space<vmem>>
      %dma_start3A_175 = tpu.memref_squeeze %dma_start3A_174 : memref<1x80x128xf32, #tpu.memory_space<vmem>> -> memref<80x128xf32, #tpu.memory_space<vmem>>
      %dma_start3A_176 = arith.constant 0 : i32
      %dma_start3A_177 = tpu.memref_slice %arg9[%add3A_140, %dma_start3A_176] : memref<125x80xi32, #tpu.memory_space<vmem>> -> memref<1x80xi32, #tpu.memory_space<vmem>>
      %dma_start3A_178 = tpu.memref_squeeze %dma_start3A_177 : memref<1x80xi32, #tpu.memory_space<vmem>> -> memref<80xi32, #tpu.memory_space<vmem>>
      %dma_start3A_179 = arith.constant 0 : i32
      %dma_start3A_180 = arith.constant 0 : i32
      %dma_start3A_181 = tpu.memref_slice %arg7[%dma_start3A_179, %dma_start3A_180] : memref<10240x128xf32, #tpu.memory_space<vmem_shared>> -> memref<10240x128xf32, #tpu.memory_space<vmem_shared>>
      tpu.enqueue_indirect_dma source(%dma_start3A_175 : memref<80x128xf32, #tpu.memory_space<vmem>>) target(%dma_start3A_181 : memref<10240x128xf32, #tpu.memory_space<vmem_shared>>) offsets(%dma_start3A_178 : memref<80xi32, #tpu.memory_space<vmem>>) semaphore(%arg14 : memref<!tpu.dma_semaphore, #tpu.memory_space<semaphore_mem>>) {add = true}
      %dma_wait3A_182 = arith.constant 1 : i32
      %dma_wait3A_183 = arith.constant 0 : i32
      %dma_wait3A_184 = arith.constant 0 : i32
      %dma_wait3A_185 = tpu.memref_slice %arg10[%dma_wait3A_182, %dma_wait3A_183, %dma_wait3A_184] : memref<2x80x128xf32, #tpu.memory_space<vmem>> -> memref<1x80x128xf32, #tpu.memory_space<vmem>>
      %dma_wait3A_186 = tpu.memref_squeeze %dma_wait3A_185 : memref<1x80x128xf32, #tpu.memory_space<vmem>> -> memref<80x128xf32, #tpu.memory_space<vmem>>
      %dma_wait3A_187 = arith.constant 0 : i32
      %dma_wait3A_188 = tpu.memref_slice %arg9[%add3A_140, %dma_wait3A_187] : memref<125x80xi32, #tpu.memory_space<vmem>> -> memref<1x80xi32, #tpu.memory_space<vmem>>
      %dma_wait3A_189 = tpu.memref_squeeze %dma_wait3A_188 : memref<1x80xi32, #tpu.memory_space<vmem>> -> memref<80xi32, #tpu.memory_space<vmem>>
      %dma_wait3A_190 = arith.constant 0 : i32
      %dma_wait3A_191 = arith.constant 0 : i32
      %dma_wait3A_192 = tpu.memref_slice %arg7[%dma_wait3A_190, %dma_wait3A_191] : memref<10240x128xf32, #tpu.memory_space<vmem_shared>> -> memref<10240x128xf32, #tpu.memory_space<vmem_shared>>
      tpu.wait_indirect_dma semaphore(%arg14 : memref<!tpu.dma_semaphore, #tpu.memory_space<semaphore_mem>>) src(%dma_wait3A_186 : memref<80x128xf32, #tpu.memory_space<vmem>>) dst(%dma_wait3A_192 : memref<10240x128xf32, #tpu.memory_space<vmem_shared>>)
    }
    %scan3A_17 = arith.constant 62 : i32
    %jit3A = arith.constant false
    %jit3A_18 = arith.constant 125 : i32
    %jit3A_19 = arith.constant 0 : i32
    %select_n3A = arith.select %jit3A, %jit3A_18, %jit3A_19 : i32
    %dma_start3A_20 = arith.constant 1 : i32
    %dma_start3A_21 = arith.constant 0 : i32
    %dma_start3A_22 = arith.constant 0 : i32
    %dma_start3A_23 = tpu.memref_slice %arg10[%dma_start3A_20, %dma_start3A_21, %dma_start3A_22] : memref<2x80x128xf32, #tpu.memory_space<vmem>> -> memref<1x80x128xf32, #tpu.memory_space<vmem>>
    %dma_start3A_24 = tpu.memref_squeeze %dma_start3A_23 : memref<1x80x128xf32, #tpu.memory_space<vmem>> -> memref<80x128xf32, #tpu.memory_space<vmem>>
    %dma_start3A_25 = arith.constant 0 : i32
    %dma_start3A_26 = tpu.memref_slice %arg8[%select_n3A, %dma_start3A_25] : memref<125x80xi32, #tpu.memory_space<vmem>> -> memref<1x80xi32, #tpu.memory_space<vmem>>
    %dma_start3A_27 = tpu.memref_squeeze %dma_start3A_26 : memref<1x80xi32, #tpu.memory_space<vmem>> -> memref<80xi32, #tpu.memory_space<vmem>>
    %dma_start3A_28 = arith.constant 0 : i32
    %dma_start3A_29 = arith.constant 0 : i32
    %dma_start3A_30 = tpu.memref_slice %arg2[%dma_start3A_28, %dma_start3A_29] : memref<10000x128xf32, #tpu.memory_space<hbm>> -> memref<10000x128xf32, #tpu.memory_space<hbm>>
    tpu.enqueue_indirect_dma source(%dma_start3A_30 : memref<10000x128xf32, #tpu.memory_space<hbm>>) target(%dma_start3A_24 : memref<80x128xf32, #tpu.memory_space<vmem>>) offsets(%dma_start3A_27 : memref<80xi32, #tpu.memory_space<vmem>>) semaphore(%arg12 : memref<!tpu.dma_semaphore, #tpu.memory_space<semaphore_mem>>)
    %dma_wait3A = arith.constant 124 : i32
    %dma_wait3A_31 = arith.constant 0 : i32
    %dma_wait3A_32 = arith.constant 0 : i32
    %dma_wait3A_33 = arith.constant 0 : i32
    %dma_wait3A_34 = tpu.memref_slice %arg10[%dma_wait3A_31, %dma_wait3A_32, %dma_wait3A_33] : memref<2x80x128xf32, #tpu.memory_space<vmem>> -> memref<1x80x128xf32, #tpu.memory_space<vmem>>
    %dma_wait3A_35 = tpu.memref_squeeze %dma_wait3A_34 : memref<1x80x128xf32, #tpu.memory_space<vmem>> -> memref<80x128xf32, #tpu.memory_space<vmem>>
    %dma_wait3A_36 = arith.constant 0 : i32
    %dma_wait3A_37 = tpu.memref_slice %arg8[%dma_wait3A, %dma_wait3A_36] : memref<125x80xi32, #tpu.memory_space<vmem>> -> memref<1x80xi32, #tpu.memory_space<vmem>>
    %dma_wait3A_38 = tpu.memref_squeeze %dma_wait3A_37 : memref<1x80xi32, #tpu.memory_space<vmem>> -> memref<80xi32, #tpu.memory_space<vmem>>
    %dma_wait3A_39 = arith.constant 0 : i32
    %dma_wait3A_40 = arith.constant 0 : i32
    %dma_wait3A_41 = tpu.memref_slice %arg2[%dma_wait3A_39, %dma_wait3A_40] : memref<10000x128xf32, #tpu.memory_space<hbm>> -> memref<10000x128xf32, #tpu.memory_space<hbm>>
    tpu.wait_indirect_dma semaphore(%arg11 : memref<!tpu.dma_semaphore, #tpu.memory_space<semaphore_mem>>) src(%dma_wait3A_41 : memref<10000x128xf32, #tpu.memory_space<hbm>>) dst(%dma_wait3A_35 : memref<80x128xf32, #tpu.memory_space<vmem>>)
    %dma_start3A_42 = arith.constant 0 : i32
    %dma_start3A_43 = arith.constant 124 : i32
    %dma_start3A_44 = arith.constant 0 : i32
    %dma_start3A_45 = arith.constant 0 : i32
    %dma_start3A_46 = tpu.memref_slice %arg10[%dma_start3A_42, %dma_start3A_44, %dma_start3A_45] : memref<2x80x128xf32, #tpu.memory_space<vmem>> -> memref<1x80x128xf32, #tpu.memory_space<vmem>>
    %dma_start3A_47 = tpu.memref_squeeze %dma_start3A_46 : memref<1x80x128xf32, #tpu.memory_space<vmem>> -> memref<80x128xf32, #tpu.memory_space<vmem>>
    %dma_start3A_48 = arith.constant 0 : i32
    %dma_start3A_49 = tpu.memref_slice %arg9[%dma_start3A_43, %dma_start3A_48] : memref<125x80xi32, #tpu.memory_space<vmem>> -> memref<1x80xi32, #tpu.memory_space<vmem>>
    %dma_start3A_50 = tpu.memref_squeeze %dma_start3A_49 : memref<1x80xi32, #tpu.memory_space<vmem>> -> memref<80xi32, #tpu.memory_space<vmem>>
    %dma_start3A_51 = arith.constant 0 : i32
    %dma_start3A_52 = arith.constant 0 : i32
    %dma_start3A_53 = tpu.memref_slice %arg7[%dma_start3A_51, %dma_start3A_52] : memref<10240x128xf32, #tpu.memory_space<vmem_shared>> -> memref<10240x128xf32, #tpu.memory_space<vmem_shared>>
    tpu.enqueue_indirect_dma source(%dma_start3A_47 : memref<80x128xf32, #tpu.memory_space<vmem>>) target(%dma_start3A_53 : memref<10240x128xf32, #tpu.memory_space<vmem_shared>>) offsets(%dma_start3A_50 : memref<80xi32, #tpu.memory_space<vmem>>) semaphore(%arg13 : memref<!tpu.dma_semaphore, #tpu.memory_space<semaphore_mem>>) {add = true}
    %dma_wait3A_54 = arith.constant 0 : i32
    %dma_wait3A_55 = arith.constant 124 : i32
    %dma_wait3A_56 = arith.constant 0 : i32
    %dma_wait3A_57 = arith.constant 0 : i32
    %dma_wait3A_58 = tpu.memref_slice %arg10[%dma_wait3A_54, %dma_wait3A_56, %dma_wait3A_57] : memref<2x80x128xf32, #tpu.memory_space<vmem>> -> memref<1x80x128xf32, #tpu.memory_space<vmem>>
    %dma_wait3A_59 = tpu.memref_squeeze %dma_wait3A_58 : memref<1x80x128xf32, #tpu.memory_space<vmem>> -> memref<80x128xf32, #tpu.memory_space<vmem>>
    %dma_wait3A_60 = arith.constant 0 : i32
    %dma_wait3A_61 = tpu.memref_slice %arg9[%dma_wait3A_55, %dma_wait3A_60] : memref<125x80xi32, #tpu.memory_space<vmem>> -> memref<1x80xi32, #tpu.memory_space<vmem>>
    %dma_wait3A_62 = tpu.memref_squeeze %dma_wait3A_61 : memref<1x80xi32, #tpu.memory_space<vmem>> -> memref<80xi32, #tpu.memory_space<vmem>>
    %dma_wait3A_63 = arith.constant 0 : i32
    %dma_wait3A_64 = arith.constant 0 : i32
    %dma_wait3A_65 = tpu.memref_slice %arg7[%dma_wait3A_63, %dma_wait3A_64] : memref<10240x128xf32, #tpu.memory_space<vmem_shared>> -> memref<10240x128xf32, #tpu.memory_space<vmem_shared>>
    tpu.wait_indirect_dma semaphore(%arg13 : memref<!tpu.dma_semaphore, #tpu.memory_space<semaphore_mem>>) src(%dma_wait3A_59 : memref<80x128xf32, #tpu.memory_space<vmem>>) dst(%dma_wait3A_65 : memref<10240x128xf32, #tpu.memory_space<vmem_shared>>)
    %dma_wait3A_66 = arith.constant 0 : i32
    %dma_wait3A_67 = arith.constant 1 : i32
    %dma_wait3A_68 = arith.constant 0 : i32
    %dma_wait3A_69 = arith.constant 0 : i32
    %dma_wait3A_70 = tpu.memref_slice %arg10[%dma_wait3A_67, %dma_wait3A_68, %dma_wait3A_69] : memref<2x80x128xf32, #tpu.memory_space<vmem>> -> memref<1x80x128xf32, #tpu.memory_space<vmem>>
    %dma_wait3A_71 = tpu.memref_squeeze %dma_wait3A_70 : memref<1x80x128xf32, #tpu.memory_space<vmem>> -> memref<80x128xf32, #tpu.memory_space<vmem>>
    %dma_wait3A_72 = arith.constant 0 : i32
    %dma_wait3A_73 = tpu.memref_slice %arg8[%dma_wait3A_66, %dma_wait3A_72] : memref<125x80xi32, #tpu.memory_space<vmem>> -> memref<1x80xi32, #tpu.memory_space<vmem>>
    %dma_wait3A_74 = tpu.memref_squeeze %dma_wait3A_73 : memref<1x80xi32, #tpu.memory_space<vmem>> -> memref<80xi32, #tpu.memory_space<vmem>>
    %dma_wait3A_75 = arith.constant 0 : i32
    %dma_wait3A_76 = arith.constant 0 : i32
    %dma_wait3A_77 = tpu.memref_slice %arg2[%dma_wait3A_75, %dma_wait3A_76] : memref<10000x128xf32, #tpu.memory_space<hbm>> -> memref<10000x128xf32, #tpu.memory_space<hbm>>
    tpu.wait_indirect_dma semaphore(%arg12 : memref<!tpu.dma_semaphore, #tpu.memory_space<semaphore_mem>>) src(%dma_wait3A_77 : memref<10000x128xf32, #tpu.memory_space<hbm>>) dst(%dma_wait3A_71 : memref<80x128xf32, #tpu.memory_space<vmem>>)
    %barrier3A_78 = arith.constant 0 : index
    tpu.barrier barrier_id(%barrier3A_78)
    %mul3A_79 = arith.constant 640 : i32
    %mul3A_80 = arith.muli %arg1, %mul3A_79 : i32
    %mul3A_81 = arith.constant 640 : i32
    %mul3A_82 = arith.muli %arg1, %mul3A_81 : i32
    "tpu.region"() ({
      %run_scoped3A = tpu.sem_alloc : memref<!tpu.dma_semaphore, #tpu.memory_space<semaphore_mem>>
      %dma_start3A_83 = arith.constant 0 : i32
      %dma_start3A_84 = tpu.memref_slice %arg6[%arg0, %mul3A_82, %dma_start3A_83] : memref<2x10240x128xf32, #tpu.memory_space<hbm>> -> memref<1x640x128xf32, #tpu.memory_space<hbm>>
      %dma_start3A_85 = tpu.memref_squeeze %dma_start3A_84 : memref<1x640x128xf32, #tpu.memory_space<hbm>> -> memref<640x128xf32, #tpu.memory_space<hbm>>
      %dma_start3A_86 = arith.constant 0 : i32
      %dma_start3A_87 = tpu.memref_slice %arg7[%mul3A_80, %dma_start3A_86] : memref<10240x128xf32, #tpu.memory_space<vmem_shared>> -> memref<640x128xf32, #tpu.memory_space<vmem_shared>>
      tpu.enqueue_dma source(%dma_start3A_87 : memref<640x128xf32, #tpu.memory_space<vmem_shared>>) target(%dma_start3A_85 : memref<640x128xf32, #tpu.memory_space<hbm>>) target_semaphore(%run_scoped3A : memref<!tpu.dma_semaphore, #tpu.memory_space<semaphore_mem>>)
      %dma_wait3A_88 = arith.constant 0 : i32
      %dma_wait3A_89 = tpu.memref_slice %arg6[%arg0, %mul3A_82, %dma_wait3A_88] : memref<2x10240x128xf32, #tpu.memory_space<hbm>> -> memref<1x640x128xf32, #tpu.memory_space<hbm>>
      %dma_wait3A_90 = tpu.memref_squeeze %dma_wait3A_89 : memref<1x640x128xf32, #tpu.memory_space<hbm>> -> memref<640x128xf32, #tpu.memory_space<hbm>>
      %dma_wait3A_91 = arith.constant 0 : i32
      %dma_wait3A_92 = tpu.memref_slice %arg7[%mul3A_80, %dma_wait3A_91] : memref<10240x128xf32, #tpu.memory_space<vmem_shared>> -> memref<640x128xf32, #tpu.memory_space<vmem_shared>>
      tpu.wait_dma2 semaphore(%run_scoped3A : memref<!tpu.dma_semaphore, #tpu.memory_space<semaphore_mem>>) src(%dma_wait3A_92 : memref<640x128xf32, #tpu.memory_space<vmem_shared>>) dst(%dma_wait3A_90 : memref<640x128xf32, #tpu.memory_space<hbm>>)
      tpu.yield
    }) : () -> ()
    return
  }
}

#map = affine_map<(d0, d1) -> (0, 0, 0)>
#map1 = affine_map<(d0, d1) -> (0, 0)>
module attributes {stable_mosaic.version = 14 : i64} {
  func.func @_deg_body(%arg0: i32, %arg1: i32, %arg2: memref<32x125x80xi32, #tpu.memory_space<hbm>>, %arg3: memref<640x16xf32, #tpu.memory_space<hbm>>, %arg4: memref<80x16xf32, #tpu.memory_space<hbm>>, %arg5: memref<2x10240x16xf32, #tpu.memory_space<hbm>>, %arg6: memref<10240x16xf32, #tpu.memory_space<vmem_shared>>, %arg7: memref<125x80xi32, #tpu.memory_space<vmem>>, %arg8: memref<80x16xf32, #tpu.memory_space<vmem>>, %arg9: memref<!tpu.dma_semaphore, #tpu.memory_space<semaphore_mem>>, %arg10: memref<!tpu.dma_semaphore, #tpu.memory_space<semaphore_mem>>, %arg11: memref<!tpu.dma_semaphore, #tpu.memory_space<semaphore_mem>>, %arg12: memref<!tpu.dma_semaphore, #tpu.memory_space<semaphore_mem>>, %arg13: memref<!tpu.dma_semaphore, #tpu.memory_space<semaphore_mem>>, %arg14: memref<!tpu.dma_semaphore, #tpu.memory_space<semaphore_mem>>, %arg15: memref<!tpu.dma_semaphore, #tpu.memory_space<semaphore_mem>>, %arg16: memref<!tpu.dma_semaphore, #tpu.memory_space<semaphore_mem>>) attributes {dimension_semantics = [#tpu.dimension_semantics<core_parallel>, #tpu.dimension_semantics<subcore_parallel>], iteration_bounds = array<i64: 2, 16>, scalar_prefetch = 0 : i64, scratch_operands = 11 : i64, tpu.core_type = #tpu.core_type<sc_vector_subcore>, window_params = [{transform_indices = #map}, {transform_indices = #map1}, {transform_indices = #map1}, {transform_indices = #map}]} {
    %mul3A = arith.constant 16 : i32
    %mul3A_0 = arith.muli %arg0, %mul3A : i32
    %add3A = arith.addi %mul3A_0, %arg1 : i32
    "tpu.region"() ({
      %run_scoped3A = tpu.sem_alloc : memref<!tpu.dma_semaphore, #tpu.memory_space<semaphore_mem>>
      tpu.enqueue_dma source(%arg4 : memref<80x16xf32, #tpu.memory_space<hbm>>) target(%arg8 : memref<80x16xf32, #tpu.memory_space<vmem>>) target_semaphore(%run_scoped3A : memref<!tpu.dma_semaphore, #tpu.memory_space<semaphore_mem>>)
      tpu.wait_dma2 semaphore(%run_scoped3A : memref<!tpu.dma_semaphore, #tpu.memory_space<semaphore_mem>>) src(%arg4 : memref<80x16xf32, #tpu.memory_space<hbm>>) dst(%arg8 : memref<80x16xf32, #tpu.memory_space<vmem>>)
      tpu.yield
    }) : () -> ()
    "tpu.region"() ({
      %run_scoped3A = tpu.sem_alloc : memref<!tpu.dma_semaphore, #tpu.memory_space<semaphore_mem>>
      %dma_start3A_192 = arith.constant 0 : i32
      %dma_start3A_193 = arith.constant 0 : i32
      %dma_start3A_194 = tpu.memref_slice %arg2[%add3A, %dma_start3A_192, %dma_start3A_193] : memref<32x125x80xi32, #tpu.memory_space<hbm>> -> memref<1x125x80xi32, #tpu.memory_space<hbm>>
      %dma_start3A_195 = tpu.memref_squeeze %dma_start3A_194 : memref<1x125x80xi32, #tpu.memory_space<hbm>> -> memref<125x80xi32, #tpu.memory_space<hbm>>
      %dma_start3A_196 = arith.constant 0 : i32
      %dma_start3A_197 = arith.constant 0 : i32
      %dma_start3A_198 = tpu.memref_slice %arg2[%add3A, %dma_start3A_196, %dma_start3A_197] : memref<32x125x80xi32, #tpu.memory_space<hbm>> -> memref<1x125x80xi32, #tpu.memory_space<hbm>>
      %dma_start3A_199 = tpu.memref_squeeze %dma_start3A_198 : memref<1x125x80xi32, #tpu.memory_space<hbm>> -> memref<125x80xi32, #tpu.memory_space<hbm>>
      tpu.enqueue_dma source(%dma_start3A_199 : memref<125x80xi32, #tpu.memory_space<hbm>>) target(%arg7 : memref<125x80xi32, #tpu.memory_space<vmem>>) target_semaphore(%run_scoped3A : memref<!tpu.dma_semaphore, #tpu.memory_space<semaphore_mem>>)
      %dma_wait3A_200 = arith.constant 0 : i32
      %dma_wait3A_201 = arith.constant 0 : i32
      %dma_wait3A_202 = tpu.memref_slice %arg2[%add3A, %dma_wait3A_200, %dma_wait3A_201] : memref<32x125x80xi32, #tpu.memory_space<hbm>> -> memref<1x125x80xi32, #tpu.memory_space<hbm>>
      %dma_wait3A_203 = tpu.memref_squeeze %dma_wait3A_202 : memref<1x125x80xi32, #tpu.memory_space<hbm>> -> memref<125x80xi32, #tpu.memory_space<hbm>>
      %dma_wait3A_204 = arith.constant 0 : i32
      %dma_wait3A_205 = arith.constant 0 : i32
      %dma_wait3A_206 = tpu.memref_slice %arg2[%add3A, %dma_wait3A_204, %dma_wait3A_205] : memref<32x125x80xi32, #tpu.memory_space<hbm>> -> memref<1x125x80xi32, #tpu.memory_space<hbm>>
      %dma_wait3A_207 = tpu.memref_squeeze %dma_wait3A_206 : memref<1x125x80xi32, #tpu.memory_space<hbm>> -> memref<125x80xi32, #tpu.memory_space<hbm>>
      tpu.wait_dma2 semaphore(%run_scoped3A : memref<!tpu.dma_semaphore, #tpu.memory_space<semaphore_mem>>) src(%dma_wait3A_207 : memref<125x80xi32, #tpu.memory_space<hbm>>) dst(%arg7 : memref<125x80xi32, #tpu.memory_space<vmem>>)
      tpu.yield
    }) : () -> ()
    %mul3A_1 = arith.constant 640 : i32
    %mul3A_2 = arith.muli %arg1, %mul3A_1 : i32
    "tpu.region"() ({
      %run_scoped3A = tpu.sem_alloc : memref<!tpu.dma_semaphore, #tpu.memory_space<semaphore_mem>>
      %dma_start3A_192 = arith.constant 0 : i32
      %dma_start3A_193 = tpu.memref_slice %arg6[%mul3A_2, %dma_start3A_192] : memref<10240x16xf32, #tpu.memory_space<vmem_shared>> -> memref<640x16xf32, #tpu.memory_space<vmem_shared>>
      tpu.enqueue_dma source(%arg3 : memref<640x16xf32, #tpu.memory_space<hbm>>) target(%dma_start3A_193 : memref<640x16xf32, #tpu.memory_space<vmem_shared>>) target_semaphore(%run_scoped3A : memref<!tpu.dma_semaphore, #tpu.memory_space<semaphore_mem>>)
      %dma_wait3A_194 = arith.constant 0 : i32
      %dma_wait3A_195 = tpu.memref_slice %arg6[%mul3A_2, %dma_wait3A_194] : memref<10240x16xf32, #tpu.memory_space<vmem_shared>> -> memref<640x16xf32, #tpu.memory_space<vmem_shared>>
      tpu.wait_dma2 semaphore(%run_scoped3A : memref<!tpu.dma_semaphore, #tpu.memory_space<semaphore_mem>>) src(%arg3 : memref<640x16xf32, #tpu.memory_space<hbm>>) dst(%dma_wait3A_195 : memref<640x16xf32, #tpu.memory_space<vmem_shared>>)
      tpu.yield
    }) : () -> ()
    %barrier3A = arith.constant 0 : index
    tpu.barrier barrier_id(%barrier3A)
    %dma_start3A = arith.constant 0 : i32
    %dma_start3A_3 = arith.constant 0 : i32
    %dma_start3A_4 = tpu.memref_slice %arg7[%dma_start3A, %dma_start3A_3] : memref<125x80xi32, #tpu.memory_space<vmem>> -> memref<1x80xi32, #tpu.memory_space<vmem>>
    %dma_start3A_5 = tpu.memref_squeeze %dma_start3A_4 : memref<1x80xi32, #tpu.memory_space<vmem>> -> memref<80xi32, #tpu.memory_space<vmem>>
    %dma_start3A_6 = arith.constant 0 : i32
    %dma_start3A_7 = arith.constant 0 : i32
    %dma_start3A_8 = tpu.memref_slice %arg6[%dma_start3A_6, %dma_start3A_7] : memref<10240x16xf32, #tpu.memory_space<vmem_shared>> -> memref<10240x16xf32, #tpu.memory_space<vmem_shared>>
    tpu.enqueue_indirect_dma source(%arg8 : memref<80x16xf32, #tpu.memory_space<vmem>>) target(%dma_start3A_8 : memref<10240x16xf32, #tpu.memory_space<vmem_shared>>) offsets(%dma_start3A_5 : memref<80xi32, #tpu.memory_space<vmem>>) semaphore(%arg9 : memref<!tpu.dma_semaphore, #tpu.memory_space<semaphore_mem>>) {add = true}
    %dma_start3A_9 = arith.constant 1 : i32
    %dma_start3A_10 = arith.constant 0 : i32
    %dma_start3A_11 = tpu.memref_slice %arg7[%dma_start3A_9, %dma_start3A_10] : memref<125x80xi32, #tpu.memory_space<vmem>> -> memref<1x80xi32, #tpu.memory_space<vmem>>
    %dma_start3A_12 = tpu.memref_squeeze %dma_start3A_11 : memref<1x80xi32, #tpu.memory_space<vmem>> -> memref<80xi32, #tpu.memory_space<vmem>>
    %dma_start3A_13 = arith.constant 0 : i32
    %dma_start3A_14 = arith.constant 0 : i32
    %dma_start3A_15 = tpu.memref_slice %arg6[%dma_start3A_13, %dma_start3A_14] : memref<10240x16xf32, #tpu.memory_space<vmem_shared>> -> memref<10240x16xf32, #tpu.memory_space<vmem_shared>>
    tpu.enqueue_indirect_dma source(%arg8 : memref<80x16xf32, #tpu.memory_space<vmem>>) target(%dma_start3A_15 : memref<10240x16xf32, #tpu.memory_space<vmem_shared>>) offsets(%dma_start3A_12 : memref<80xi32, #tpu.memory_space<vmem>>) semaphore(%arg10 : memref<!tpu.dma_semaphore, #tpu.memory_space<semaphore_mem>>) {add = true}
    %dma_start3A_16 = arith.constant 2 : i32
    %dma_start3A_17 = arith.constant 0 : i32
    %dma_start3A_18 = tpu.memref_slice %arg7[%dma_start3A_16, %dma_start3A_17] : memref<125x80xi32, #tpu.memory_space<vmem>> -> memref<1x80xi32, #tpu.memory_space<vmem>>
    %dma_start3A_19 = tpu.memref_squeeze %dma_start3A_18 : memref<1x80xi32, #tpu.memory_space<vmem>> -> memref<80xi32, #tpu.memory_space<vmem>>
    %dma_start3A_20 = arith.constant 0 : i32
    %dma_start3A_21 = arith.constant 0 : i32
    %dma_start3A_22 = tpu.memref_slice %arg6[%dma_start3A_20, %dma_start3A_21] : memref<10240x16xf32, #tpu.memory_space<vmem_shared>> -> memref<10240x16xf32, #tpu.memory_space<vmem_shared>>
    tpu.enqueue_indirect_dma source(%arg8 : memref<80x16xf32, #tpu.memory_space<vmem>>) target(%dma_start3A_22 : memref<10240x16xf32, #tpu.memory_space<vmem_shared>>) offsets(%dma_start3A_19 : memref<80xi32, #tpu.memory_space<vmem>>) semaphore(%arg11 : memref<!tpu.dma_semaphore, #tpu.memory_space<semaphore_mem>>) {add = true}
    %dma_start3A_23 = arith.constant 3 : i32
    %dma_start3A_24 = arith.constant 0 : i32
    %dma_start3A_25 = tpu.memref_slice %arg7[%dma_start3A_23, %dma_start3A_24] : memref<125x80xi32, #tpu.memory_space<vmem>> -> memref<1x80xi32, #tpu.memory_space<vmem>>
    %dma_start3A_26 = tpu.memref_squeeze %dma_start3A_25 : memref<1x80xi32, #tpu.memory_space<vmem>> -> memref<80xi32, #tpu.memory_space<vmem>>
    %dma_start3A_27 = arith.constant 0 : i32
    %dma_start3A_28 = arith.constant 0 : i32
    %dma_start3A_29 = tpu.memref_slice %arg6[%dma_start3A_27, %dma_start3A_28] : memref<10240x16xf32, #tpu.memory_space<vmem_shared>> -> memref<10240x16xf32, #tpu.memory_space<vmem_shared>>
    tpu.enqueue_indirect_dma source(%arg8 : memref<80x16xf32, #tpu.memory_space<vmem>>) target(%dma_start3A_29 : memref<10240x16xf32, #tpu.memory_space<vmem_shared>>) offsets(%dma_start3A_26 : memref<80xi32, #tpu.memory_space<vmem>>) semaphore(%arg12 : memref<!tpu.dma_semaphore, #tpu.memory_space<semaphore_mem>>) {add = true}
    %dma_start3A_30 = arith.constant 4 : i32
    %dma_start3A_31 = arith.constant 0 : i32
    %dma_start3A_32 = tpu.memref_slice %arg7[%dma_start3A_30, %dma_start3A_31] : memref<125x80xi32, #tpu.memory_space<vmem>> -> memref<1x80xi32, #tpu.memory_space<vmem>>
    %dma_start3A_33 = tpu.memref_squeeze %dma_start3A_32 : memref<1x80xi32, #tpu.memory_space<vmem>> -> memref<80xi32, #tpu.memory_space<vmem>>
    %dma_start3A_34 = arith.constant 0 : i32
    %dma_start3A_35 = arith.constant 0 : i32
    %dma_start3A_36 = tpu.memref_slice %arg6[%dma_start3A_34, %dma_start3A_35] : memref<10240x16xf32, #tpu.memory_space<vmem_shared>> -> memref<10240x16xf32, #tpu.memory_space<vmem_shared>>
    tpu.enqueue_indirect_dma source(%arg8 : memref<80x16xf32, #tpu.memory_space<vmem>>) target(%dma_start3A_36 : memref<10240x16xf32, #tpu.memory_space<vmem_shared>>) offsets(%dma_start3A_33 : memref<80xi32, #tpu.memory_space<vmem>>) semaphore(%arg13 : memref<!tpu.dma_semaphore, #tpu.memory_space<semaphore_mem>>) {add = true}
    %dma_start3A_37 = arith.constant 5 : i32
    %dma_start3A_38 = arith.constant 0 : i32
    %dma_start3A_39 = tpu.memref_slice %arg7[%dma_start3A_37, %dma_start3A_38] : memref<125x80xi32, #tpu.memory_space<vmem>> -> memref<1x80xi32, #tpu.memory_space<vmem>>
    %dma_start3A_40 = tpu.memref_squeeze %dma_start3A_39 : memref<1x80xi32, #tpu.memory_space<vmem>> -> memref<80xi32, #tpu.memory_space<vmem>>
    %dma_start3A_41 = arith.constant 0 : i32
    %dma_start3A_42 = arith.constant 0 : i32
    %dma_start3A_43 = tpu.memref_slice %arg6[%dma_start3A_41, %dma_start3A_42] : memref<10240x16xf32, #tpu.memory_space<vmem_shared>> -> memref<10240x16xf32, #tpu.memory_space<vmem_shared>>
    tpu.enqueue_indirect_dma source(%arg8 : memref<80x16xf32, #tpu.memory_space<vmem>>) target(%dma_start3A_43 : memref<10240x16xf32, #tpu.memory_space<vmem_shared>>) offsets(%dma_start3A_40 : memref<80xi32, #tpu.memory_space<vmem>>) semaphore(%arg14 : memref<!tpu.dma_semaphore, #tpu.memory_space<semaphore_mem>>) {add = true}
    %dma_start3A_44 = arith.constant 6 : i32
    %dma_start3A_45 = arith.constant 0 : i32
    %dma_start3A_46 = tpu.memref_slice %arg7[%dma_start3A_44, %dma_start3A_45] : memref<125x80xi32, #tpu.memory_space<vmem>> -> memref<1x80xi32, #tpu.memory_space<vmem>>
    %dma_start3A_47 = tpu.memref_squeeze %dma_start3A_46 : memref<1x80xi32, #tpu.memory_space<vmem>> -> memref<80xi32, #tpu.memory_space<vmem>>
    %dma_start3A_48 = arith.constant 0 : i32
    %dma_start3A_49 = arith.constant 0 : i32
    %dma_start3A_50 = tpu.memref_slice %arg6[%dma_start3A_48, %dma_start3A_49] : memref<10240x16xf32, #tpu.memory_space<vmem_shared>> -> memref<10240x16xf32, #tpu.memory_space<vmem_shared>>
    tpu.enqueue_indirect_dma source(%arg8 : memref<80x16xf32, #tpu.memory_space<vmem>>) target(%dma_start3A_50 : memref<10240x16xf32, #tpu.memory_space<vmem_shared>>) offsets(%dma_start3A_47 : memref<80xi32, #tpu.memory_space<vmem>>) semaphore(%arg15 : memref<!tpu.dma_semaphore, #tpu.memory_space<semaphore_mem>>) {add = true}
    %dma_start3A_51 = arith.constant 7 : i32
    %dma_start3A_52 = arith.constant 0 : i32
    %dma_start3A_53 = tpu.memref_slice %arg7[%dma_start3A_51, %dma_start3A_52] : memref<125x80xi32, #tpu.memory_space<vmem>> -> memref<1x80xi32, #tpu.memory_space<vmem>>
    %dma_start3A_54 = tpu.memref_squeeze %dma_start3A_53 : memref<1x80xi32, #tpu.memory_space<vmem>> -> memref<80xi32, #tpu.memory_space<vmem>>
    %dma_start3A_55 = arith.constant 0 : i32
    %dma_start3A_56 = arith.constant 0 : i32
    %dma_start3A_57 = tpu.memref_slice %arg6[%dma_start3A_55, %dma_start3A_56] : memref<10240x16xf32, #tpu.memory_space<vmem_shared>> -> memref<10240x16xf32, #tpu.memory_space<vmem_shared>>
    tpu.enqueue_indirect_dma source(%arg8 : memref<80x16xf32, #tpu.memory_space<vmem>>) target(%dma_start3A_57 : memref<10240x16xf32, #tpu.memory_space<vmem_shared>>) offsets(%dma_start3A_54 : memref<80xi32, #tpu.memory_space<vmem>>) semaphore(%arg16 : memref<!tpu.dma_semaphore, #tpu.memory_space<semaphore_mem>>) {add = true}
    %scan3A = arith.constant 1 : i32
    %scan3A_58 = arith.constant 14 : i32
    %scan3A_59 = arith.addi %scan3A, %scan3A_58 : i32
    %scan3A_60 = arith.constant 1 : i32
    scf.for %scan3A_192 = %scan3A to %scan3A_59 step %scan3A_60  : i32 {
      %dma_wait3A_193 = arith.constant 0 : i32
      %dma_wait3A_194 = arith.constant 0 : i32
      %dma_wait3A_195 = tpu.memref_slice %arg7[%dma_wait3A_193, %dma_wait3A_194] : memref<125x80xi32, #tpu.memory_space<vmem>> -> memref<1x80xi32, #tpu.memory_space<vmem>>
      %dma_wait3A_196 = tpu.memref_squeeze %dma_wait3A_195 : memref<1x80xi32, #tpu.memory_space<vmem>> -> memref<80xi32, #tpu.memory_space<vmem>>
      %dma_wait3A_197 = arith.constant 0 : i32
      %dma_wait3A_198 = arith.constant 0 : i32
      %dma_wait3A_199 = tpu.memref_slice %arg6[%dma_wait3A_197, %dma_wait3A_198] : memref<10240x16xf32, #tpu.memory_space<vmem_shared>> -> memref<10240x16xf32, #tpu.memory_space<vmem_shared>>
      tpu.wait_indirect_dma semaphore(%arg9 : memref<!tpu.dma_semaphore, #tpu.memory_space<semaphore_mem>>) src(%arg8 : memref<80x16xf32, #tpu.memory_space<vmem>>) dst(%dma_wait3A_199 : memref<10240x16xf32, #tpu.memory_space<vmem_shared>>)
      %mul3A_200 = arith.constant 8 : i32
      %mul3A_201 = arith.muli %mul3A_200, %scan3A_192 : i32
      %add3A_202 = arith.constant 0 : i32
      %add3A_203 = arith.addi %mul3A_201, %add3A_202 : i32
      %dma_start3A_204 = arith.constant 0 : i32
      %dma_start3A_205 = tpu.memref_slice %arg7[%add3A_203, %dma_start3A_204] : memref<125x80xi32, #tpu.memory_space<vmem>> -> memref<1x80xi32, #tpu.memory_space<vmem>>
      %dma_start3A_206 = tpu.memref_squeeze %dma_start3A_205 : memref<1x80xi32, #tpu.memory_space<vmem>> -> memref<80xi32, #tpu.memory_space<vmem>>
      %dma_start3A_207 = arith.constant 0 : i32
      %dma_start3A_208 = arith.constant 0 : i32
      %dma_start3A_209 = tpu.memref_slice %arg6[%dma_start3A_207, %dma_start3A_208] : memref<10240x16xf32, #tpu.memory_space<vmem_shared>> -> memref<10240x16xf32, #tpu.memory_space<vmem_shared>>
      tpu.enqueue_indirect_dma source(%arg8 : memref<80x16xf32, #tpu.memory_space<vmem>>) target(%dma_start3A_209 : memref<10240x16xf32, #tpu.memory_space<vmem_shared>>) offsets(%dma_start3A_206 : memref<80xi32, #tpu.memory_space<vmem>>) semaphore(%arg9 : memref<!tpu.dma_semaphore, #tpu.memory_space<semaphore_mem>>) {add = true}
      %dma_wait3A_210 = arith.constant 0 : i32
      %dma_wait3A_211 = arith.constant 0 : i32
      %dma_wait3A_212 = tpu.memref_slice %arg7[%dma_wait3A_210, %dma_wait3A_211] : memref<125x80xi32, #tpu.memory_space<vmem>> -> memref<1x80xi32, #tpu.memory_space<vmem>>
      %dma_wait3A_213 = tpu.memref_squeeze %dma_wait3A_212 : memref<1x80xi32, #tpu.memory_space<vmem>> -> memref<80xi32, #tpu.memory_space<vmem>>
      %dma_wait3A_214 = arith.constant 0 : i32
      %dma_wait3A_215 = arith.constant 0 : i32
      %dma_wait3A_216 = tpu.memref_slice %arg6[%dma_wait3A_214, %dma_wait3A_215] : memref<10240x16xf32, #tpu.memory_space<vmem_shared>> -> memref<10240x16xf32, #tpu.memory_space<vmem_shared>>
      tpu.wait_indirect_dma semaphore(%arg10 : memref<!tpu.dma_semaphore, #tpu.memory_space<semaphore_mem>>) src(%arg8 : memref<80x16xf32, #tpu.memory_space<vmem>>) dst(%dma_wait3A_216 : memref<10240x16xf32, #tpu.memory_space<vmem_shared>>)
      %mul3A_217 = arith.constant 8 : i32
      %mul3A_218 = arith.muli %mul3A_217, %scan3A_192 : i32
      %add3A_219 = arith.constant 1 : i32
      %add3A_220 = arith.addi %mul3A_218, %add3A_219 : i32
      %dma_start3A_221 = arith.constant 0 : i32
      %dma_start3A_222 = tpu.memref_slice %arg7[%add3A_220, %dma_start3A_221] : memref<125x80xi32, #tpu.memory_space<vmem>> -> memref<1x80xi32, #tpu.memory_space<vmem>>
      %dma_start3A_223 = tpu.memref_squeeze %dma_start3A_222 : memref<1x80xi32, #tpu.memory_space<vmem>> -> memref<80xi32, #tpu.memory_space<vmem>>
      %dma_start3A_224 = arith.constant 0 : i32
      %dma_start3A_225 = arith.constant 0 : i32
      %dma_start3A_226 = tpu.memref_slice %arg6[%dma_start3A_224, %dma_start3A_225] : memref<10240x16xf32, #tpu.memory_space<vmem_shared>> -> memref<10240x16xf32, #tpu.memory_space<vmem_shared>>
      tpu.enqueue_indirect_dma source(%arg8 : memref<80x16xf32, #tpu.memory_space<vmem>>) target(%dma_start3A_226 : memref<10240x16xf32, #tpu.memory_space<vmem_shared>>) offsets(%dma_start3A_223 : memref<80xi32, #tpu.memory_space<vmem>>) semaphore(%arg10 : memref<!tpu.dma_semaphore, #tpu.memory_space<semaphore_mem>>) {add = true}
      %dma_wait3A_227 = arith.constant 0 : i32
      %dma_wait3A_228 = arith.constant 0 : i32
      %dma_wait3A_229 = tpu.memref_slice %arg7[%dma_wait3A_227, %dma_wait3A_228] : memref<125x80xi32, #tpu.memory_space<vmem>> -> memref<1x80xi32, #tpu.memory_space<vmem>>
      %dma_wait3A_230 = tpu.memref_squeeze %dma_wait3A_229 : memref<1x80xi32, #tpu.memory_space<vmem>> -> memref<80xi32, #tpu.memory_space<vmem>>
      %dma_wait3A_231 = arith.constant 0 : i32
      %dma_wait3A_232 = arith.constant 0 : i32
      %dma_wait3A_233 = tpu.memref_slice %arg6[%dma_wait3A_231, %dma_wait3A_232] : memref<10240x16xf32, #tpu.memory_space<vmem_shared>> -> memref<10240x16xf32, #tpu.memory_space<vmem_shared>>
      tpu.wait_indirect_dma semaphore(%arg11 : memref<!tpu.dma_semaphore, #tpu.memory_space<semaphore_mem>>) src(%arg8 : memref<80x16xf32, #tpu.memory_space<vmem>>) dst(%dma_wait3A_233 : memref<10240x16xf32, #tpu.memory_space<vmem_shared>>)
      %mul3A_234 = arith.constant 8 : i32
      %mul3A_235 = arith.muli %mul3A_234, %scan3A_192 : i32
      %add3A_236 = arith.constant 2 : i32
      %add3A_237 = arith.addi %mul3A_235, %add3A_236 : i32
      %dma_start3A_238 = arith.constant 0 : i32
      %dma_start3A_239 = tpu.memref_slice %arg7[%add3A_237, %dma_start3A_238] : memref<125x80xi32, #tpu.memory_space<vmem>> -> memref<1x80xi32, #tpu.memory_space<vmem>>
      %dma_start3A_240 = tpu.memref_squeeze %dma_start3A_239 : memref<1x80xi32, #tpu.memory_space<vmem>> -> memref<80xi32, #tpu.memory_space<vmem>>
      %dma_start3A_241 = arith.constant 0 : i32
      %dma_start3A_242 = arith.constant 0 : i32
      %dma_start3A_243 = tpu.memref_slice %arg6[%dma_start3A_241, %dma_start3A_242] : memref<10240x16xf32, #tpu.memory_space<vmem_shared>> -> memref<10240x16xf32, #tpu.memory_space<vmem_shared>>
      tpu.enqueue_indirect_dma source(%arg8 : memref<80x16xf32, #tpu.memory_space<vmem>>) target(%dma_start3A_243 : memref<10240x16xf32, #tpu.memory_space<vmem_shared>>) offsets(%dma_start3A_240 : memref<80xi32, #tpu.memory_space<vmem>>) semaphore(%arg11 : memref<!tpu.dma_semaphore, #tpu.memory_space<semaphore_mem>>) {add = true}
      %dma_wait3A_244 = arith.constant 0 : i32
      %dma_wait3A_245 = arith.constant 0 : i32
      %dma_wait3A_246 = tpu.memref_slice %arg7[%dma_wait3A_244, %dma_wait3A_245] : memref<125x80xi32, #tpu.memory_space<vmem>> -> memref<1x80xi32, #tpu.memory_space<vmem>>
      %dma_wait3A_247 = tpu.memref_squeeze %dma_wait3A_246 : memref<1x80xi32, #tpu.memory_space<vmem>> -> memref<80xi32, #tpu.memory_space<vmem>>
      %dma_wait3A_248 = arith.constant 0 : i32
      %dma_wait3A_249 = arith.constant 0 : i32
      %dma_wait3A_250 = tpu.memref_slice %arg6[%dma_wait3A_248, %dma_wait3A_249] : memref<10240x16xf32, #tpu.memory_space<vmem_shared>> -> memref<10240x16xf32, #tpu.memory_space<vmem_shared>>
      tpu.wait_indirect_dma semaphore(%arg12 : memref<!tpu.dma_semaphore, #tpu.memory_space<semaphore_mem>>) src(%arg8 : memref<80x16xf32, #tpu.memory_space<vmem>>) dst(%dma_wait3A_250 : memref<10240x16xf32, #tpu.memory_space<vmem_shared>>)
      %mul3A_251 = arith.constant 8 : i32
      %mul3A_252 = arith.muli %mul3A_251, %scan3A_192 : i32
      %add3A_253 = arith.constant 3 : i32
      %add3A_254 = arith.addi %mul3A_252, %add3A_253 : i32
      %dma_start3A_255 = arith.constant 0 : i32
      %dma_start3A_256 = tpu.memref_slice %arg7[%add3A_254, %dma_start3A_255] : memref<125x80xi32, #tpu.memory_space<vmem>> -> memref<1x80xi32, #tpu.memory_space<vmem>>
      %dma_start3A_257 = tpu.memref_squeeze %dma_start3A_256 : memref<1x80xi32, #tpu.memory_space<vmem>> -> memref<80xi32, #tpu.memory_space<vmem>>
      %dma_start3A_258 = arith.constant 0 : i32
      %dma_start3A_259 = arith.constant 0 : i32
      %dma_start3A_260 = tpu.memref_slice %arg6[%dma_start3A_258, %dma_start3A_259] : memref<10240x16xf32, #tpu.memory_space<vmem_shared>> -> memref<10240x16xf32, #tpu.memory_space<vmem_shared>>
      tpu.enqueue_indirect_dma source(%arg8 : memref<80x16xf32, #tpu.memory_space<vmem>>) target(%dma_start3A_260 : memref<10240x16xf32, #tpu.memory_space<vmem_shared>>) offsets(%dma_start3A_257 : memref<80xi32, #tpu.memory_space<vmem>>) semaphore(%arg12 : memref<!tpu.dma_semaphore, #tpu.memory_space<semaphore_mem>>) {add = true}
      %dma_wait3A_261 = arith.constant 0 : i32
      %dma_wait3A_262 = arith.constant 0 : i32
      %dma_wait3A_263 = tpu.memref_slice %arg7[%dma_wait3A_261, %dma_wait3A_262] : memref<125x80xi32, #tpu.memory_space<vmem>> -> memref<1x80xi32, #tpu.memory_space<vmem>>
      %dma_wait3A_264 = tpu.memref_squeeze %dma_wait3A_263 : memref<1x80xi32, #tpu.memory_space<vmem>> -> memref<80xi32, #tpu.memory_space<vmem>>
      %dma_wait3A_265 = arith.constant 0 : i32
      %dma_wait3A_266 = arith.constant 0 : i32
      %dma_wait3A_267 = tpu.memref_slice %arg6[%dma_wait3A_265, %dma_wait3A_266] : memref<10240x16xf32, #tpu.memory_space<vmem_shared>> -> memref<10240x16xf32, #tpu.memory_space<vmem_shared>>
      tpu.wait_indirect_dma semaphore(%arg13 : memref<!tpu.dma_semaphore, #tpu.memory_space<semaphore_mem>>) src(%arg8 : memref<80x16xf32, #tpu.memory_space<vmem>>) dst(%dma_wait3A_267 : memref<10240x16xf32, #tpu.memory_space<vmem_shared>>)
      %mul3A_268 = arith.constant 8 : i32
      %mul3A_269 = arith.muli %mul3A_268, %scan3A_192 : i32
      %add3A_270 = arith.constant 4 : i32
      %add3A_271 = arith.addi %mul3A_269, %add3A_270 : i32
      %dma_start3A_272 = arith.constant 0 : i32
      %dma_start3A_273 = tpu.memref_slice %arg7[%add3A_271, %dma_start3A_272] : memref<125x80xi32, #tpu.memory_space<vmem>> -> memref<1x80xi32, #tpu.memory_space<vmem>>
      %dma_start3A_274 = tpu.memref_squeeze %dma_start3A_273 : memref<1x80xi32, #tpu.memory_space<vmem>> -> memref<80xi32, #tpu.memory_space<vmem>>
      %dma_start3A_275 = arith.constant 0 : i32
      %dma_start3A_276 = arith.constant 0 : i32
      %dma_start3A_277 = tpu.memref_slice %arg6[%dma_start3A_275, %dma_start3A_276] : memref<10240x16xf32, #tpu.memory_space<vmem_shared>> -> memref<10240x16xf32, #tpu.memory_space<vmem_shared>>
      tpu.enqueue_indirect_dma source(%arg8 : memref<80x16xf32, #tpu.memory_space<vmem>>) target(%dma_start3A_277 : memref<10240x16xf32, #tpu.memory_space<vmem_shared>>) offsets(%dma_start3A_274 : memref<80xi32, #tpu.memory_space<vmem>>) semaphore(%arg13 : memref<!tpu.dma_semaphore, #tpu.memory_space<semaphore_mem>>) {add = true}
      %dma_wait3A_278 = arith.constant 0 : i32
      %dma_wait3A_279 = arith.constant 0 : i32
      %dma_wait3A_280 = tpu.memref_slice %arg7[%dma_wait3A_278, %dma_wait3A_279] : memref<125x80xi32, #tpu.memory_space<vmem>> -> memref<1x80xi32, #tpu.memory_space<vmem>>
      %dma_wait3A_281 = tpu.memref_squeeze %dma_wait3A_280 : memref<1x80xi32, #tpu.memory_space<vmem>> -> memref<80xi32, #tpu.memory_space<vmem>>
      %dma_wait3A_282 = arith.constant 0 : i32
      %dma_wait3A_283 = arith.constant 0 : i32
      %dma_wait3A_284 = tpu.memref_slice %arg6[%dma_wait3A_282, %dma_wait3A_283] : memref<10240x16xf32, #tpu.memory_space<vmem_shared>> -> memref<10240x16xf32, #tpu.memory_space<vmem_shared>>
      tpu.wait_indirect_dma semaphore(%arg14 : memref<!tpu.dma_semaphore, #tpu.memory_space<semaphore_mem>>) src(%arg8 : memref<80x16xf32, #tpu.memory_space<vmem>>) dst(%dma_wait3A_284 : memref<10240x16xf32, #tpu.memory_space<vmem_shared>>)
      %mul3A_285 = arith.constant 8 : i32
      %mul3A_286 = arith.muli %mul3A_285, %scan3A_192 : i32
      %add3A_287 = arith.constant 5 : i32
      %add3A_288 = arith.addi %mul3A_286, %add3A_287 : i32
      %dma_start3A_289 = arith.constant 0 : i32
      %dma_start3A_290 = tpu.memref_slice %arg7[%add3A_288, %dma_start3A_289] : memref<125x80xi32, #tpu.memory_space<vmem>> -> memref<1x80xi32, #tpu.memory_space<vmem>>
      %dma_start3A_291 = tpu.memref_squeeze %dma_start3A_290 : memref<1x80xi32, #tpu.memory_space<vmem>> -> memref<80xi32, #tpu.memory_space<vmem>>
      %dma_start3A_292 = arith.constant 0 : i32
      %dma_start3A_293 = arith.constant 0 : i32
      %dma_start3A_294 = tpu.memref_slice %arg6[%dma_start3A_292, %dma_start3A_293] : memref<10240x16xf32, #tpu.memory_space<vmem_shared>> -> memref<10240x16xf32, #tpu.memory_space<vmem_shared>>
      tpu.enqueue_indirect_dma source(%arg8 : memref<80x16xf32, #tpu.memory_space<vmem>>) target(%dma_start3A_294 : memref<10240x16xf32, #tpu.memory_space<vmem_shared>>) offsets(%dma_start3A_291 : memref<80xi32, #tpu.memory_space<vmem>>) semaphore(%arg14 : memref<!tpu.dma_semaphore, #tpu.memory_space<semaphore_mem>>) {add = true}
      %dma_wait3A_295 = arith.constant 0 : i32
      %dma_wait3A_296 = arith.constant 0 : i32
      %dma_wait3A_297 = tpu.memref_slice %arg7[%dma_wait3A_295, %dma_wait3A_296] : memref<125x80xi32, #tpu.memory_space<vmem>> -> memref<1x80xi32, #tpu.memory_space<vmem>>
      %dma_wait3A_298 = tpu.memref_squeeze %dma_wait3A_297 : memref<1x80xi32, #tpu.memory_space<vmem>> -> memref<80xi32, #tpu.memory_space<vmem>>
      %dma_wait3A_299 = arith.constant 0 : i32
      %dma_wait3A_300 = arith.constant 0 : i32
      %dma_wait3A_301 = tpu.memref_slice %arg6[%dma_wait3A_299, %dma_wait3A_300] : memref<10240x16xf32, #tpu.memory_space<vmem_shared>> -> memref<10240x16xf32, #tpu.memory_space<vmem_shared>>
      tpu.wait_indirect_dma semaphore(%arg15 : memref<!tpu.dma_semaphore, #tpu.memory_space<semaphore_mem>>) src(%arg8 : memref<80x16xf32, #tpu.memory_space<vmem>>) dst(%dma_wait3A_301 : memref<10240x16xf32, #tpu.memory_space<vmem_shared>>)
      %mul3A_302 = arith.constant 8 : i32
      %mul3A_303 = arith.muli %mul3A_302, %scan3A_192 : i32
      %add3A_304 = arith.constant 6 : i32
      %add3A_305 = arith.addi %mul3A_303, %add3A_304 : i32
      %dma_start3A_306 = arith.constant 0 : i32
      %dma_start3A_307 = tpu.memref_slice %arg7[%add3A_305, %dma_start3A_306] : memref<125x80xi32, #tpu.memory_space<vmem>> -> memref<1x80xi32, #tpu.memory_space<vmem>>
      %dma_start3A_308 = tpu.memref_squeeze %dma_start3A_307 : memref<1x80xi32, #tpu.memory_space<vmem>> -> memref<80xi32, #tpu.memory_space<vmem>>
      %dma_start3A_309 = arith.constant 0 : i32
      %dma_start3A_310 = arith.constant 0 : i32
      %dma_start3A_311 = tpu.memref_slice %arg6[%dma_start3A_309, %dma_start3A_310] : memref<10240x16xf32, #tpu.memory_space<vmem_shared>> -> memref<10240x16xf32, #tpu.memory_space<vmem_shared>>
      tpu.enqueue_indirect_dma source(%arg8 : memref<80x16xf32, #tpu.memory_space<vmem>>) target(%dma_start3A_311 : memref<10240x16xf32, #tpu.memory_space<vmem_shared>>) offsets(%dma_start3A_308 : memref<80xi32, #tpu.memory_space<vmem>>) semaphore(%arg15 : memref<!tpu.dma_semaphore, #tpu.memory_space<semaphore_mem>>) {add = true}
      %dma_wait3A_312 = arith.constant 0 : i32
      %dma_wait3A_313 = arith.constant 0 : i32
      %dma_wait3A_314 = tpu.memref_slice %arg7[%dma_wait3A_312, %dma_wait3A_313] : memref<125x80xi32, #tpu.memory_space<vmem>> -> memref<1x80xi32, #tpu.memory_space<vmem>>
      %dma_wait3A_315 = tpu.memref_squeeze %dma_wait3A_314 : memref<1x80xi32, #tpu.memory_space<vmem>> -> memref<80xi32, #tpu.memory_space<vmem>>
      %dma_wait3A_316 = arith.constant 0 : i32
      %dma_wait3A_317 = arith.constant 0 : i32
      %dma_wait3A_318 = tpu.memref_slice %arg6[%dma_wait3A_316, %dma_wait3A_317] : memref<10240x16xf32, #tpu.memory_space<vmem_shared>> -> memref<10240x16xf32, #tpu.memory_space<vmem_shared>>
      tpu.wait_indirect_dma semaphore(%arg16 : memref<!tpu.dma_semaphore, #tpu.memory_space<semaphore_mem>>) src(%arg8 : memref<80x16xf32, #tpu.memory_space<vmem>>) dst(%dma_wait3A_318 : memref<10240x16xf32, #tpu.memory_space<vmem_shared>>)
      %mul3A_319 = arith.constant 8 : i32
      %mul3A_320 = arith.muli %mul3A_319, %scan3A_192 : i32
      %add3A_321 = arith.constant 7 : i32
      %add3A_322 = arith.addi %mul3A_320, %add3A_321 : i32
      %dma_start3A_323 = arith.constant 0 : i32
      %dma_start3A_324 = tpu.memref_slice %arg7[%add3A_322, %dma_start3A_323] : memref<125x80xi32, #tpu.memory_space<vmem>> -> memref<1x80xi32, #tpu.memory_space<vmem>>
      %dma_start3A_325 = tpu.memref_squeeze %dma_start3A_324 : memref<1x80xi32, #tpu.memory_space<vmem>> -> memref<80xi32, #tpu.memory_space<vmem>>
      %dma_start3A_326 = arith.constant 0 : i32
      %dma_start3A_327 = arith.constant 0 : i32
      %dma_start3A_328 = tpu.memref_slice %arg6[%dma_start3A_326, %dma_start3A_327] : memref<10240x16xf32, #tpu.memory_space<vmem_shared>> -> memref<10240x16xf32, #tpu.memory_space<vmem_shared>>
      tpu.enqueue_indirect_dma source(%arg8 : memref<80x16xf32, #tpu.memory_space<vmem>>) target(%dma_start3A_328 : memref<10240x16xf32, #tpu.memory_space<vmem_shared>>) offsets(%dma_start3A_325 : memref<80xi32, #tpu.memory_space<vmem>>) semaphore(%arg16 : memref<!tpu.dma_semaphore, #tpu.memory_space<semaphore_mem>>) {add = true}
    }
    %scan3A_61 = arith.constant 14 : i32
    %dma_wait3A = arith.constant 0 : i32
    %dma_wait3A_62 = arith.constant 0 : i32
    %dma_wait3A_63 = tpu.memref_slice %arg7[%dma_wait3A, %dma_wait3A_62] : memref<125x80xi32, #tpu.memory_space<vmem>> -> memref<1x80xi32, #tpu.memory_space<vmem>>
    %dma_wait3A_64 = tpu.memref_squeeze %dma_wait3A_63 : memref<1x80xi32, #tpu.memory_space<vmem>> -> memref<80xi32, #tpu.memory_space<vmem>>
    %dma_wait3A_65 = arith.constant 0 : i32
    %dma_wait3A_66 = arith.constant 0 : i32
    %dma_wait3A_67 = tpu.memref_slice %arg6[%dma_wait3A_65, %dma_wait3A_66] : memref<10240x16xf32, #tpu.memory_space<vmem_shared>> -> memref<10240x16xf32, #tpu.memory_space<vmem_shared>>
    tpu.wait_indirect_dma semaphore(%arg9 : memref<!tpu.dma_semaphore, #tpu.memory_space<semaphore_mem>>) src(%arg8 : memref<80x16xf32, #tpu.memory_space<vmem>>) dst(%dma_wait3A_67 : memref<10240x16xf32, #tpu.memory_space<vmem_shared>>)
    %dma_start3A_68 = arith.constant 120 : i32
    %dma_start3A_69 = arith.constant 0 : i32
    %dma_start3A_70 = tpu.memref_slice %arg7[%dma_start3A_68, %dma_start3A_69] : memref<125x80xi32, #tpu.memory_space<vmem>> -> memref<1x80xi32, #tpu.memory_space<vmem>>
    %dma_start3A_71 = tpu.memref_squeeze %dma_start3A_70 : memref<1x80xi32, #tpu.memory_space<vmem>> -> memref<80xi32, #tpu.memory_space<vmem>>
    %dma_start3A_72 = arith.constant 0 : i32
    %dma_start3A_73 = arith.constant 0 : i32
    %dma_start3A_74 = tpu.memref_slice %arg6[%dma_start3A_72, %dma_start3A_73] : memref<10240x16xf32, #tpu.memory_space<vmem_shared>> -> memref<10240x16xf32, #tpu.memory_space<vmem_shared>>
    tpu.enqueue_indirect_dma source(%arg8 : memref<80x16xf32, #tpu.memory_space<vmem>>) target(%dma_start3A_74 : memref<10240x16xf32, #tpu.memory_space<vmem_shared>>) offsets(%dma_start3A_71 : memref<80xi32, #tpu.memory_space<vmem>>) semaphore(%arg9 : memref<!tpu.dma_semaphore, #tpu.memory_space<semaphore_mem>>) {add = true}
    %dma_wait3A_75 = arith.constant 0 : i32
    %dma_wait3A_76 = arith.constant 0 : i32
    %dma_wait3A_77 = tpu.memref_slice %arg7[%dma_wait3A_75, %dma_wait3A_76] : memref<125x80xi32, #tpu.memory_space<vmem>> -> memref<1x80xi32, #tpu.memory_space<vmem>>
    %dma_wait3A_78 = tpu.memref_squeeze %dma_wait3A_77 : memref<1x80xi32, #tpu.memory_space<vmem>> -> memref<80xi32, #tpu.memory_space<vmem>>
    %dma_wait3A_79 = arith.constant 0 : i32
    %dma_wait3A_80 = arith.constant 0 : i32
    %dma_wait3A_81 = tpu.memref_slice %arg6[%dma_wait3A_79, %dma_wait3A_80] : memref<10240x16xf32, #tpu.memory_space<vmem_shared>> -> memref<10240x16xf32, #tpu.memory_space<vmem_shared>>
    tpu.wait_indirect_dma semaphore(%arg10 : memref<!tpu.dma_semaphore, #tpu.memory_space<semaphore_mem>>) src(%arg8 : memref<80x16xf32, #tpu.memory_space<vmem>>) dst(%dma_wait3A_81 : memref<10240x16xf32, #tpu.memory_space<vmem_shared>>)
    %dma_start3A_82 = arith.constant 121 : i32
    %dma_start3A_83 = arith.constant 0 : i32
    %dma_start3A_84 = tpu.memref_slice %arg7[%dma_start3A_82, %dma_start3A_83] : memref<125x80xi32, #tpu.memory_space<vmem>> -> memref<1x80xi32, #tpu.memory_space<vmem>>
    %dma_start3A_85 = tpu.memref_squeeze %dma_start3A_84 : memref<1x80xi32, #tpu.memory_space<vmem>> -> memref<80xi32, #tpu.memory_space<vmem>>
    %dma_start3A_86 = arith.constant 0 : i32
    %dma_start3A_87 = arith.constant 0 : i32
    %dma_start3A_88 = tpu.memref_slice %arg6[%dma_start3A_86, %dma_start3A_87] : memref<10240x16xf32, #tpu.memory_space<vmem_shared>> -> memref<10240x16xf32, #tpu.memory_space<vmem_shared>>
    tpu.enqueue_indirect_dma source(%arg8 : memref<80x16xf32, #tpu.memory_space<vmem>>) target(%dma_start3A_88 : memref<10240x16xf32, #tpu.memory_space<vmem_shared>>) offsets(%dma_start3A_85 : memref<80xi32, #tpu.memory_space<vmem>>) semaphore(%arg10 : memref<!tpu.dma_semaphore, #tpu.memory_space<semaphore_mem>>) {add = true}
    %dma_wait3A_89 = arith.constant 0 : i32
    %dma_wait3A_90 = arith.constant 0 : i32
    %dma_wait3A_91 = tpu.memref_slice %arg7[%dma_wait3A_89, %dma_wait3A_90] : memref<125x80xi32, #tpu.memory_space<vmem>> -> memref<1x80xi32, #tpu.memory_space<vmem>>
    %dma_wait3A_92 = tpu.memref_squeeze %dma_wait3A_91 : memref<1x80xi32, #tpu.memory_space<vmem>> -> memref<80xi32, #tpu.memory_space<vmem>>
    %dma_wait3A_93 = arith.constant 0 : i32
    %dma_wait3A_94 = arith.constant 0 : i32
    %dma_wait3A_95 = tpu.memref_slice %arg6[%dma_wait3A_93, %dma_wait3A_94] : memref<10240x16xf32, #tpu.memory_space<vmem_shared>> -> memref<10240x16xf32, #tpu.memory_space<vmem_shared>>
    tpu.wait_indirect_dma semaphore(%arg11 : memref<!tpu.dma_semaphore, #tpu.memory_space<semaphore_mem>>) src(%arg8 : memref<80x16xf32, #tpu.memory_space<vmem>>) dst(%dma_wait3A_95 : memref<10240x16xf32, #tpu.memory_space<vmem_shared>>)
    %dma_start3A_96 = arith.constant 122 : i32
    %dma_start3A_97 = arith.constant 0 : i32
    %dma_start3A_98 = tpu.memref_slice %arg7[%dma_start3A_96, %dma_start3A_97] : memref<125x80xi32, #tpu.memory_space<vmem>> -> memref<1x80xi32, #tpu.memory_space<vmem>>
    %dma_start3A_99 = tpu.memref_squeeze %dma_start3A_98 : memref<1x80xi32, #tpu.memory_space<vmem>> -> memref<80xi32, #tpu.memory_space<vmem>>
    %dma_start3A_100 = arith.constant 0 : i32
    %dma_start3A_101 = arith.constant 0 : i32
    %dma_start3A_102 = tpu.memref_slice %arg6[%dma_start3A_100, %dma_start3A_101] : memref<10240x16xf32, #tpu.memory_space<vmem_shared>> -> memref<10240x16xf32, #tpu.memory_space<vmem_shared>>
    tpu.enqueue_indirect_dma source(%arg8 : memref<80x16xf32, #tpu.memory_space<vmem>>) target(%dma_start3A_102 : memref<10240x16xf32, #tpu.memory_space<vmem_shared>>) offsets(%dma_start3A_99 : memref<80xi32, #tpu.memory_space<vmem>>) semaphore(%arg11 : memref<!tpu.dma_semaphore, #tpu.memory_space<semaphore_mem>>) {add = true}
    %dma_wait3A_103 = arith.constant 0 : i32
    %dma_wait3A_104 = arith.constant 0 : i32
    %dma_wait3A_105 = tpu.memref_slice %arg7[%dma_wait3A_103, %dma_wait3A_104] : memref<125x80xi32, #tpu.memory_space<vmem>> -> memref<1x80xi32, #tpu.memory_space<vmem>>
    %dma_wait3A_106 = tpu.memref_squeeze %dma_wait3A_105 : memref<1x80xi32, #tpu.memory_space<vmem>> -> memref<80xi32, #tpu.memory_space<vmem>>
    %dma_wait3A_107 = arith.constant 0 : i32
    %dma_wait3A_108 = arith.constant 0 : i32
    %dma_wait3A_109 = tpu.memref_slice %arg6[%dma_wait3A_107, %dma_wait3A_108] : memref<10240x16xf32, #tpu.memory_space<vmem_shared>> -> memref<10240x16xf32, #tpu.memory_space<vmem_shared>>
    tpu.wait_indirect_dma semaphore(%arg12 : memref<!tpu.dma_semaphore, #tpu.memory_space<semaphore_mem>>) src(%arg8 : memref<80x16xf32, #tpu.memory_space<vmem>>) dst(%dma_wait3A_109 : memref<10240x16xf32, #tpu.memory_space<vmem_shared>>)
    %dma_start3A_110 = arith.constant 123 : i32
    %dma_start3A_111 = arith.constant 0 : i32
    %dma_start3A_112 = tpu.memref_slice %arg7[%dma_start3A_110, %dma_start3A_111] : memref<125x80xi32, #tpu.memory_space<vmem>> -> memref<1x80xi32, #tpu.memory_space<vmem>>
    %dma_start3A_113 = tpu.memref_squeeze %dma_start3A_112 : memref<1x80xi32, #tpu.memory_space<vmem>> -> memref<80xi32, #tpu.memory_space<vmem>>
    %dma_start3A_114 = arith.constant 0 : i32
    %dma_start3A_115 = arith.constant 0 : i32
    %dma_start3A_116 = tpu.memref_slice %arg6[%dma_start3A_114, %dma_start3A_115] : memref<10240x16xf32, #tpu.memory_space<vmem_shared>> -> memref<10240x16xf32, #tpu.memory_space<vmem_shared>>
    tpu.enqueue_indirect_dma source(%arg8 : memref<80x16xf32, #tpu.memory_space<vmem>>) target(%dma_start3A_116 : memref<10240x16xf32, #tpu.memory_space<vmem_shared>>) offsets(%dma_start3A_113 : memref<80xi32, #tpu.memory_space<vmem>>) semaphore(%arg12 : memref<!tpu.dma_semaphore, #tpu.memory_space<semaphore_mem>>) {add = true}
    %dma_wait3A_117 = arith.constant 0 : i32
    %dma_wait3A_118 = arith.constant 0 : i32
    %dma_wait3A_119 = tpu.memref_slice %arg7[%dma_wait3A_117, %dma_wait3A_118] : memref<125x80xi32, #tpu.memory_space<vmem>> -> memref<1x80xi32, #tpu.memory_space<vmem>>
    %dma_wait3A_120 = tpu.memref_squeeze %dma_wait3A_119 : memref<1x80xi32, #tpu.memory_space<vmem>> -> memref<80xi32, #tpu.memory_space<vmem>>
    %dma_wait3A_121 = arith.constant 0 : i32
    %dma_wait3A_122 = arith.constant 0 : i32
    %dma_wait3A_123 = tpu.memref_slice %arg6[%dma_wait3A_121, %dma_wait3A_122] : memref<10240x16xf32, #tpu.memory_space<vmem_shared>> -> memref<10240x16xf32, #tpu.memory_space<vmem_shared>>
    tpu.wait_indirect_dma semaphore(%arg13 : memref<!tpu.dma_semaphore, #tpu.memory_space<semaphore_mem>>) src(%arg8 : memref<80x16xf32, #tpu.memory_space<vmem>>) dst(%dma_wait3A_123 : memref<10240x16xf32, #tpu.memory_space<vmem_shared>>)
    %dma_start3A_124 = arith.constant 124 : i32
    %dma_start3A_125 = arith.constant 0 : i32
    %dma_start3A_126 = tpu.memref_slice %arg7[%dma_start3A_124, %dma_start3A_125] : memref<125x80xi32, #tpu.memory_space<vmem>> -> memref<1x80xi32, #tpu.memory_space<vmem>>
    %dma_start3A_127 = tpu.memref_squeeze %dma_start3A_126 : memref<1x80xi32, #tpu.memory_space<vmem>> -> memref<80xi32, #tpu.memory_space<vmem>>
    %dma_start3A_128 = arith.constant 0 : i32
    %dma_start3A_129 = arith.constant 0 : i32
    %dma_start3A_130 = tpu.memref_slice %arg6[%dma_start3A_128, %dma_start3A_129] : memref<10240x16xf32, #tpu.memory_space<vmem_shared>> -> memref<10240x16xf32, #tpu.memory_space<vmem_shared>>
    tpu.enqueue_indirect_dma source(%arg8 : memref<80x16xf32, #tpu.memory_space<vmem>>) target(%dma_start3A_130 : memref<10240x16xf32, #tpu.memory_space<vmem_shared>>) offsets(%dma_start3A_127 : memref<80xi32, #tpu.memory_space<vmem>>) semaphore(%arg13 : memref<!tpu.dma_semaphore, #tpu.memory_space<semaphore_mem>>) {add = true}
    %dma_wait3A_131 = arith.constant 0 : i32
    %dma_wait3A_132 = arith.constant 0 : i32
    %dma_wait3A_133 = tpu.memref_slice %arg7[%dma_wait3A_131, %dma_wait3A_132] : memref<125x80xi32, #tpu.memory_space<vmem>> -> memref<1x80xi32, #tpu.memory_space<vmem>>
    %dma_wait3A_134 = tpu.memref_squeeze %dma_wait3A_133 : memref<1x80xi32, #tpu.memory_space<vmem>> -> memref<80xi32, #tpu.memory_space<vmem>>
    %dma_wait3A_135 = arith.constant 0 : i32
    %dma_wait3A_136 = arith.constant 0 : i32
    %dma_wait3A_137 = tpu.memref_slice %arg6[%dma_wait3A_135, %dma_wait3A_136] : memref<10240x16xf32, #tpu.memory_space<vmem_shared>> -> memref<10240x16xf32, #tpu.memory_space<vmem_shared>>
    tpu.wait_indirect_dma semaphore(%arg9 : memref<!tpu.dma_semaphore, #tpu.memory_space<semaphore_mem>>) src(%arg8 : memref<80x16xf32, #tpu.memory_space<vmem>>) dst(%dma_wait3A_137 : memref<10240x16xf32, #tpu.memory_space<vmem_shared>>)
    %dma_wait3A_138 = arith.constant 0 : i32
    %dma_wait3A_139 = arith.constant 0 : i32
    %dma_wait3A_140 = tpu.memref_slice %arg7[%dma_wait3A_138, %dma_wait3A_139] : memref<125x80xi32, #tpu.memory_space<vmem>> -> memref<1x80xi32, #tpu.memory_space<vmem>>
    %dma_wait3A_141 = tpu.memref_squeeze %dma_wait3A_140 : memref<1x80xi32, #tpu.memory_space<vmem>> -> memref<80xi32, #tpu.memory_space<vmem>>
    %dma_wait3A_142 = arith.constant 0 : i32
    %dma_wait3A_143 = arith.constant 0 : i32
    %dma_wait3A_144 = tpu.memref_slice %arg6[%dma_wait3A_142, %dma_wait3A_143] : memref<10240x16xf32, #tpu.memory_space<vmem_shared>> -> memref<10240x16xf32, #tpu.memory_space<vmem_shared>>
    tpu.wait_indirect_dma semaphore(%arg10 : memref<!tpu.dma_semaphore, #tpu.memory_space<semaphore_mem>>) src(%arg8 : memref<80x16xf32, #tpu.memory_space<vmem>>) dst(%dma_wait3A_144 : memref<10240x16xf32, #tpu.memory_space<vmem_shared>>)
    %dma_wait3A_145 = arith.constant 0 : i32
    %dma_wait3A_146 = arith.constant 0 : i32
    %dma_wait3A_147 = tpu.memref_slice %arg7[%dma_wait3A_145, %dma_wait3A_146] : memref<125x80xi32, #tpu.memory_space<vmem>> -> memref<1x80xi32, #tpu.memory_space<vmem>>
    %dma_wait3A_148 = tpu.memref_squeeze %dma_wait3A_147 : memref<1x80xi32, #tpu.memory_space<vmem>> -> memref<80xi32, #tpu.memory_space<vmem>>
    %dma_wait3A_149 = arith.constant 0 : i32
    %dma_wait3A_150 = arith.constant 0 : i32
    %dma_wait3A_151 = tpu.memref_slice %arg6[%dma_wait3A_149, %dma_wait3A_150] : memref<10240x16xf32, #tpu.memory_space<vmem_shared>> -> memref<10240x16xf32, #tpu.memory_space<vmem_shared>>
    tpu.wait_indirect_dma semaphore(%arg11 : memref<!tpu.dma_semaphore, #tpu.memory_space<semaphore_mem>>) src(%arg8 : memref<80x16xf32, #tpu.memory_space<vmem>>) dst(%dma_wait3A_151 : memref<10240x16xf32, #tpu.memory_space<vmem_shared>>)
    %dma_wait3A_152 = arith.constant 0 : i32
    %dma_wait3A_153 = arith.constant 0 : i32
    %dma_wait3A_154 = tpu.memref_slice %arg7[%dma_wait3A_152, %dma_wait3A_153] : memref<125x80xi32, #tpu.memory_space<vmem>> -> memref<1x80xi32, #tpu.memory_space<vmem>>
    %dma_wait3A_155 = tpu.memref_squeeze %dma_wait3A_154 : memref<1x80xi32, #tpu.memory_space<vmem>> -> memref<80xi32, #tpu.memory_space<vmem>>
    %dma_wait3A_156 = arith.constant 0 : i32
    %dma_wait3A_157 = arith.constant 0 : i32
    %dma_wait3A_158 = tpu.memref_slice %arg6[%dma_wait3A_156, %dma_wait3A_157] : memref<10240x16xf32, #tpu.memory_space<vmem_shared>> -> memref<10240x16xf32, #tpu.memory_space<vmem_shared>>
    tpu.wait_indirect_dma semaphore(%arg12 : memref<!tpu.dma_semaphore, #tpu.memory_space<semaphore_mem>>) src(%arg8 : memref<80x16xf32, #tpu.memory_space<vmem>>) dst(%dma_wait3A_158 : memref<10240x16xf32, #tpu.memory_space<vmem_shared>>)
    %dma_wait3A_159 = arith.constant 0 : i32
    %dma_wait3A_160 = arith.constant 0 : i32
    %dma_wait3A_161 = tpu.memref_slice %arg7[%dma_wait3A_159, %dma_wait3A_160] : memref<125x80xi32, #tpu.memory_space<vmem>> -> memref<1x80xi32, #tpu.memory_space<vmem>>
    %dma_wait3A_162 = tpu.memref_squeeze %dma_wait3A_161 : memref<1x80xi32, #tpu.memory_space<vmem>> -> memref<80xi32, #tpu.memory_space<vmem>>
    %dma_wait3A_163 = arith.constant 0 : i32
    %dma_wait3A_164 = arith.constant 0 : i32
    %dma_wait3A_165 = tpu.memref_slice %arg6[%dma_wait3A_163, %dma_wait3A_164] : memref<10240x16xf32, #tpu.memory_space<vmem_shared>> -> memref<10240x16xf32, #tpu.memory_space<vmem_shared>>
    tpu.wait_indirect_dma semaphore(%arg13 : memref<!tpu.dma_semaphore, #tpu.memory_space<semaphore_mem>>) src(%arg8 : memref<80x16xf32, #tpu.memory_space<vmem>>) dst(%dma_wait3A_165 : memref<10240x16xf32, #tpu.memory_space<vmem_shared>>)
    %dma_wait3A_166 = arith.constant 0 : i32
    %dma_wait3A_167 = arith.constant 0 : i32
    %dma_wait3A_168 = tpu.memref_slice %arg7[%dma_wait3A_166, %dma_wait3A_167] : memref<125x80xi32, #tpu.memory_space<vmem>> -> memref<1x80xi32, #tpu.memory_space<vmem>>
    %dma_wait3A_169 = tpu.memref_squeeze %dma_wait3A_168 : memref<1x80xi32, #tpu.memory_space<vmem>> -> memref<80xi32, #tpu.memory_space<vmem>>
    %dma_wait3A_170 = arith.constant 0 : i32
    %dma_wait3A_171 = arith.constant 0 : i32
    %dma_wait3A_172 = tpu.memref_slice %arg6[%dma_wait3A_170, %dma_wait3A_171] : memref<10240x16xf32, #tpu.memory_space<vmem_shared>> -> memref<10240x16xf32, #tpu.memory_space<vmem_shared>>
    tpu.wait_indirect_dma semaphore(%arg14 : memref<!tpu.dma_semaphore, #tpu.memory_space<semaphore_mem>>) src(%arg8 : memref<80x16xf32, #tpu.memory_space<vmem>>) dst(%dma_wait3A_172 : memref<10240x16xf32, #tpu.memory_space<vmem_shared>>)
    %dma_wait3A_173 = arith.constant 0 : i32
    %dma_wait3A_174 = arith.constant 0 : i32
    %dma_wait3A_175 = tpu.memref_slice %arg7[%dma_wait3A_173, %dma_wait3A_174] : memref<125x80xi32, #tpu.memory_space<vmem>> -> memref<1x80xi32, #tpu.memory_space<vmem>>
    %dma_wait3A_176 = tpu.memref_squeeze %dma_wait3A_175 : memref<1x80xi32, #tpu.memory_space<vmem>> -> memref<80xi32, #tpu.memory_space<vmem>>
    %dma_wait3A_177 = arith.constant 0 : i32
    %dma_wait3A_178 = arith.constant 0 : i32
    %dma_wait3A_179 = tpu.memref_slice %arg6[%dma_wait3A_177, %dma_wait3A_178] : memref<10240x16xf32, #tpu.memory_space<vmem_shared>> -> memref<10240x16xf32, #tpu.memory_space<vmem_shared>>
    tpu.wait_indirect_dma semaphore(%arg15 : memref<!tpu.dma_semaphore, #tpu.memory_space<semaphore_mem>>) src(%arg8 : memref<80x16xf32, #tpu.memory_space<vmem>>) dst(%dma_wait3A_179 : memref<10240x16xf32, #tpu.memory_space<vmem_shared>>)
    %dma_wait3A_180 = arith.constant 0 : i32
    %dma_wait3A_181 = arith.constant 0 : i32
    %dma_wait3A_182 = tpu.memref_slice %arg7[%dma_wait3A_180, %dma_wait3A_181] : memref<125x80xi32, #tpu.memory_space<vmem>> -> memref<1x80xi32, #tpu.memory_space<vmem>>
    %dma_wait3A_183 = tpu.memref_squeeze %dma_wait3A_182 : memref<1x80xi32, #tpu.memory_space<vmem>> -> memref<80xi32, #tpu.memory_space<vmem>>
    %dma_wait3A_184 = arith.constant 0 : i32
    %dma_wait3A_185 = arith.constant 0 : i32
    %dma_wait3A_186 = tpu.memref_slice %arg6[%dma_wait3A_184, %dma_wait3A_185] : memref<10240x16xf32, #tpu.memory_space<vmem_shared>> -> memref<10240x16xf32, #tpu.memory_space<vmem_shared>>
    tpu.wait_indirect_dma semaphore(%arg16 : memref<!tpu.dma_semaphore, #tpu.memory_space<semaphore_mem>>) src(%arg8 : memref<80x16xf32, #tpu.memory_space<vmem>>) dst(%dma_wait3A_186 : memref<10240x16xf32, #tpu.memory_space<vmem_shared>>)
    %barrier3A_187 = arith.constant 0 : index
    tpu.barrier barrier_id(%barrier3A_187)
    %mul3A_188 = arith.constant 640 : i32
    %mul3A_189 = arith.muli %arg1, %mul3A_188 : i32
    %mul3A_190 = arith.constant 640 : i32
    %mul3A_191 = arith.muli %arg1, %mul3A_190 : i32
    "tpu.region"() ({
      %run_scoped3A = tpu.sem_alloc : memref<!tpu.dma_semaphore, #tpu.memory_space<semaphore_mem>>
      %dma_start3A_192 = arith.constant 0 : i32
      %dma_start3A_193 = tpu.memref_slice %arg5[%arg0, %mul3A_191, %dma_start3A_192] : memref<2x10240x16xf32, #tpu.memory_space<hbm>> -> memref<1x640x16xf32, #tpu.memory_space<hbm>>
      %dma_start3A_194 = tpu.memref_squeeze %dma_start3A_193 : memref<1x640x16xf32, #tpu.memory_space<hbm>> -> memref<640x16xf32, #tpu.memory_space<hbm>>
      %dma_start3A_195 = arith.constant 0 : i32
      %dma_start3A_196 = tpu.memref_slice %arg6[%mul3A_189, %dma_start3A_195] : memref<10240x16xf32, #tpu.memory_space<vmem_shared>> -> memref<640x16xf32, #tpu.memory_space<vmem_shared>>
      tpu.enqueue_dma source(%dma_start3A_196 : memref<640x16xf32, #tpu.memory_space<vmem_shared>>) target(%dma_start3A_194 : memref<640x16xf32, #tpu.memory_space<hbm>>) target_semaphore(%run_scoped3A : memref<!tpu.dma_semaphore, #tpu.memory_space<semaphore_mem>>)
      %dma_wait3A_197 = arith.constant 0 : i32
      %dma_wait3A_198 = tpu.memref_slice %arg5[%arg0, %mul3A_191, %dma_wait3A_197] : memref<2x10240x16xf32, #tpu.memory_space<hbm>> -> memref<1x640x16xf32, #tpu.memory_space<hbm>>
      %dma_wait3A_199 = tpu.memref_squeeze %dma_wait3A_198 : memref<1x640x16xf32, #tpu.memory_space<hbm>> -> memref<640x16xf32, #tpu.memory_space<hbm>>
      %dma_wait3A_200 = arith.constant 0 : i32
      %dma_wait3A_201 = tpu.memref_slice %arg6[%mul3A_189, %dma_wait3A_200] : memref<10240x16xf32, #tpu.memory_space<vmem_shared>> -> memref<640x16xf32, #tpu.memory_space<vmem_shared>>
      tpu.wait_dma2 semaphore(%run_scoped3A : memref<!tpu.dma_semaphore, #tpu.memory_space<semaphore_mem>>) src(%dma_wait3A_201 : memref<640x16xf32, #tpu.memory_space<vmem_shared>>) dst(%dma_wait3A_199 : memref<640x16xf32, #tpu.memory_space<hbm>>)
      tpu.yield
    }) : () -> ()
    return
  }
}

module attributes {stable_mosaic.version = 14 : i64} {
  func.func @_fc_body(%arg0: i32, %arg1: memref<2000x128xf32, #tpu.memory_space<vmem>>, %arg2: memref<128x128xf32, #tpu.memory_space<vmem>>, %arg3: memref<1x128xf32, #tpu.memory_space<vmem>>, %arg4: memref<2x2000x16xf32, #tpu.memory_space<vmem>>, %arg5: memref<2000x128xf32, #tpu.memory_space<vmem>>) attributes {dimension_semantics = [#tpu.dimension_semantics<arbitrary>], iteration_bounds = array<i64: 5>, scalar_prefetch = 0 : i64, scratch_operands = 0 : i64, tpu.core_type = #tpu.core_type<tc>, window_params = [{transform_indices = @transform_0, window_bounds = array<i64: 2000, 128>}, {pipeline_mode = #tpu.pipeline_mode<synchronous>, transform_indices = @transform_1, window_bounds = array<i64: 128, 128>}, {pipeline_mode = #tpu.pipeline_mode<synchronous>, transform_indices = @transform_2, window_bounds = array<i64: 1, 128>}, {transform_indices = @transform_3, window_bounds = array<i64: 2, 2000, 16>}, {transform_indices = @transform_4, window_bounds = array<i64: 2000, 128>}]} {
    %get3A = arith.constant 0 : index
    %get3A_0 = arith.constant 0 : index
    %get3A_1 = arith.constant 0 : index
    %get3A_2 = vector.load %arg4[%get3A, %get3A_0, %get3A_1] : memref<2x2000x16xf32, #tpu.memory_space<vmem>>, vector<1x2000x16xf32>
    %get3A_3 = vector.shape_cast %get3A_2 : vector<1x2000x16xf32> to vector<2000x16xf32>
    %slice3A = vector.extract_strided_slice %get3A_3 {offsets = [0, 0], sizes = [2000, 1], strides = [1, 1]} : vector<2000x16xf32> to vector<2000x1xf32>
    %get3A_4 = arith.constant 1 : index
    %get3A_5 = arith.constant 0 : index
    %get3A_6 = arith.constant 0 : index
    %get3A_7 = vector.load %arg4[%get3A_4, %get3A_5, %get3A_6] : memref<2x2000x16xf32, #tpu.memory_space<vmem>>, vector<1x2000x16xf32>
    %get3A_8 = vector.shape_cast %get3A_7 : vector<1x2000x16xf32> to vector<2000x16xf32>
    %slice3A_9 = vector.extract_strided_slice %get3A_8 {offsets = [0, 0], sizes = [2000, 1], strides = [1, 1]} : vector<2000x16xf32> to vector<2000x1xf32>
    %add3A = arith.addf %slice3A, %slice3A_9 : vector<2000x1xf32>
    %add3A_10 = arith.constant 1.000000e+00 : f32
    %add3A_11 = vector.broadcast %add3A_10 : f32 to vector<2000x1xf32>
    %add3A_12 = arith.addf %add3A, %add3A_11 : vector<2000x1xf32>
    %rsqrt3A = math.rsqrt %add3A_12 : vector<2000x1xf32>
    %get3A_13 = arith.constant 0 : index
    %get3A_14 = arith.constant 0 : index
    %get3A_15 = vector.load %arg1[%get3A_13, %get3A_14] : memref<2000x128xf32, #tpu.memory_space<vmem>>, vector<2000x128xf32>
    %get3A_16 = arith.constant 0 : index
    %get3A_17 = arith.constant 0 : index
    %get3A_18 = vector.load %arg2[%get3A_16, %get3A_17] : memref<128x128xf32, #tpu.memory_space<vmem>>, vector<128x128xf32>
    %dot_general3A = arith.constant dense<0.000000e+00> : vector<2000x128xf32>
    %dot_general3A_19 = tpu.matmul %get3A_15, %get3A_18, %dot_general3A {dimension_numbers = #tpu.dot_dimension_numbers<[1], [0], [0], [1], [0, 0, 1, 1], [], []>, transpose_lhs_hint = false} : vector<2000x128xf32>, vector<128x128xf32>, vector<2000x128xf32> -> vector<2000x128xf32>
    %get3A_20 = arith.constant 0 : index
    %get3A_21 = arith.constant 0 : index
    %get3A_22 = vector.load %arg3[%get3A_20, %get3A_21] : memref<1x128xf32, #tpu.memory_space<vmem>>, vector<1x128xf32>
    %add3A_23 = vector.broadcast %get3A_22 : vector<1x128xf32> to vector<2000x128xf32>
    %add3A_24 = arith.addf %dot_general3A_19, %add3A_23 : vector<2000x128xf32>
    %max3A = arith.constant 0.000000e+00 : f32
    %max3A_25 = vector.broadcast %max3A : f32 to vector<2000x128xf32>
    %max3A_26 = arith.maximumf %add3A_24, %max3A_25 : vector<2000x128xf32>
    %mul3A = vector.broadcast %rsqrt3A : vector<2000x1xf32> to vector<2000x128xf32>
    %mul3A_27 = arith.mulf %max3A_26, %mul3A : vector<2000x128xf32>
    %swap3A = arith.constant 0 : index
    %swap3A_28 = arith.constant 0 : index
    %swap3A_29 = vector.load %arg5[%swap3A, %swap3A_28] : memref<2000x128xf32, #tpu.memory_space<vmem>>, vector<2000x128xf32>
    tpu.vector_store %arg5[%swap3A, %swap3A_28], %mul3A_27 {strides = array<i32>} : memref<2000x128xf32, #tpu.memory_space<vmem>>, vector<2000x128xf32>,
    return
  }
  func.func @transform_0(%arg0: i32) -> (i32, i32) {
    %c0_i32 = arith.constant 0 : i32
    %c0_i32_0 = arith.constant 0 : i32
    return %arg0, %c0_i32 : i32, i32
  }
  func.func @transform_1(%arg0: i32) -> (i32, i32) {
    %c0_i32 = arith.constant 0 : i32
    %c0_i32_0 = arith.constant 0 : i32
    %c0_i32_1 = arith.constant 0 : i32
    return %c0_i32, %c0_i32_0 : i32, i32
  }
  func.func @transform_2(%arg0: i32) -> (i32, i32) {
    %c0_i32 = arith.constant 0 : i32
    %c0_i32_0 = arith.constant 0 : i32
    %c0_i32_1 = arith.constant 0 : i32
    return %c0_i32, %c0_i32_0 : i32, i32
  }
  func.func @transform_3(%arg0: i32) -> (i32, i32, i32) {
    %c0_i32 = arith.constant 0 : i32
    %c0_i32_0 = arith.constant 0 : i32
    %c0_i32_1 = arith.constant 0 : i32
    return %c0_i32, %arg0, %c0_i32_0 : i32, i32, i32
  }
  func.func @transform_4(%arg0: i32) -> (i32, i32) {
    %c0_i32 = arith.constant 0 : i32
    %c0_i32_0 = arith.constant 0 : i32
    return %arg0, %c0_i32 : i32, i32
  }
}

module attributes {stable_mosaic.version = 14 : i64} {
  func.func @_final_body(%arg0: i32, %arg1: memref<2x2000x128xf32, #tpu.memory_space<vmem>>, %arg2: memref<2000x128xf32, #tpu.memory_space<vmem>>, %arg3: memref<2x2000x16xf32, #tpu.memory_space<vmem>>, %arg4: memref<128x74xf32, #tpu.memory_space<vmem>>, %arg5: memref<1x74xf32, #tpu.memory_space<vmem>>, %arg6: memref<128x74xf32, #tpu.memory_space<vmem>>, %arg7: memref<1x74xf32, #tpu.memory_space<vmem>>, %arg8: memref<2000x74xf32, #tpu.memory_space<vmem>>, %arg9: memref<2000x74xf32, #tpu.memory_space<vmem>>) attributes {dimension_semantics = [#tpu.dimension_semantics<arbitrary>], iteration_bounds = array<i64: 5>, scalar_prefetch = 0 : i64, scratch_operands = 0 : i64, tpu.core_type = #tpu.core_type<tc>, window_params = [{transform_indices = @transform_0, window_bounds = array<i64: 2, 2000, 128>}, {transform_indices = @transform_1, window_bounds = array<i64: 2000, 128>}, {transform_indices = @transform_2, window_bounds = array<i64: 2, 2000, 16>}, {pipeline_mode = #tpu.pipeline_mode<synchronous>, transform_indices = @transform_3, window_bounds = array<i64: 128, 74>}, {pipeline_mode = #tpu.pipeline_mode<synchronous>, transform_indices = @transform_4, window_bounds = array<i64: 1, 74>}, {pipeline_mode = #tpu.pipeline_mode<synchronous>, transform_indices = @transform_5, window_bounds = array<i64: 128, 74>}, {pipeline_mode = #tpu.pipeline_mode<synchronous>, transform_indices = @transform_6, window_bounds = array<i64: 1, 74>}, {transform_indices = @transform_7, window_bounds = array<i64: 2000, 74>}, {transform_indices = @transform_8, window_bounds = array<i64: 2000, 74>}]} {
    %get3A = arith.constant 0 : index
    %get3A_0 = arith.constant 0 : index
    %get3A_1 = arith.constant 0 : index
    %get3A_2 = vector.load %arg3[%get3A, %get3A_0, %get3A_1] : memref<2x2000x16xf32, #tpu.memory_space<vmem>>, vector<1x2000x16xf32>
    %get3A_3 = vector.shape_cast %get3A_2 : vector<1x2000x16xf32> to vector<2000x16xf32>
    %slice3A = vector.extract_strided_slice %get3A_3 {offsets = [0, 0], sizes = [2000, 1], strides = [1, 1]} : vector<2000x16xf32> to vector<2000x1xf32>
    %get3A_4 = arith.constant 1 : index
    %get3A_5 = arith.constant 0 : index
    %get3A_6 = arith.constant 0 : index
    %get3A_7 = vector.load %arg3[%get3A_4, %get3A_5, %get3A_6] : memref<2x2000x16xf32, #tpu.memory_space<vmem>>, vector<1x2000x16xf32>
    %get3A_8 = vector.shape_cast %get3A_7 : vector<1x2000x16xf32> to vector<2000x16xf32>
    %slice3A_9 = vector.extract_strided_slice %get3A_8 {offsets = [0, 0], sizes = [2000, 1], strides = [1, 1]} : vector<2000x16xf32> to vector<2000x1xf32>
    %add3A = arith.addf %slice3A, %slice3A_9 : vector<2000x1xf32>
    %add3A_10 = arith.constant 1.000000e+00 : f32
    %add3A_11 = vector.broadcast %add3A_10 : f32 to vector<2000x1xf32>
    %add3A_12 = arith.addf %add3A, %add3A_11 : vector<2000x1xf32>
    %rsqrt3A = math.rsqrt %add3A_12 : vector<2000x1xf32>
    %get3A_13 = arith.constant 0 : index
    %get3A_14 = arith.constant 0 : index
    %get3A_15 = arith.constant 0 : index
    %get3A_16 = vector.load %arg1[%get3A_13, %get3A_14, %get3A_15] : memref<2x2000x128xf32, #tpu.memory_space<vmem>>, vector<1x2000x128xf32>
    %get3A_17 = vector.shape_cast %get3A_16 : vector<1x2000x128xf32> to vector<2000x128xf32>
    %get3A_18 = arith.constant 1 : index
    %get3A_19 = arith.constant 0 : index
    %get3A_20 = arith.constant 0 : index
    %get3A_21 = vector.load %arg1[%get3A_18, %get3A_19, %get3A_20] : memref<2x2000x128xf32, #tpu.memory_space<vmem>>, vector<1x2000x128xf32>
    %get3A_22 = vector.shape_cast %get3A_21 : vector<1x2000x128xf32> to vector<2000x128xf32>
    %add3A_23 = arith.addf %get3A_17, %get3A_22 : vector<2000x128xf32>
    %get3A_24 = arith.constant 0 : index
    %get3A_25 = arith.constant 0 : index
    %get3A_26 = vector.load %arg2[%get3A_24, %get3A_25] : memref<2000x128xf32, #tpu.memory_space<vmem>>, vector<2000x128xf32>
    %add3A_27 = arith.addf %add3A_23, %get3A_26 : vector<2000x128xf32>
    %mul3A = vector.broadcast %rsqrt3A : vector<2000x1xf32> to vector<2000x128xf32>
    %mul3A_28 = arith.mulf %add3A_27, %mul3A : vector<2000x128xf32>
    %get3A_29 = arith.constant 0 : index
    %get3A_30 = arith.constant 0 : index
    %get3A_31 = vector.load %arg4[%get3A_29, %get3A_30] : memref<128x74xf32, #tpu.memory_space<vmem>>, vector<128x74xf32>
    %dot_general3A = arith.constant dense<0.000000e+00> : vector<2000x74xf32>
    %dot_general3A_32 = tpu.matmul %mul3A_28, %get3A_31, %dot_general3A {dimension_numbers = #tpu.dot_dimension_numbers<[1], [0], [0], [1], [0, 0, 1, 1], [], []>, transpose_lhs_hint = false} : vector<2000x128xf32>, vector<128x74xf32>, vector<2000x74xf32> -> vector<2000x74xf32>
    %get3A_33 = arith.constant 0 : index
    %get3A_34 = arith.constant 0 : index
    %get3A_35 = vector.load %arg5[%get3A_33, %get3A_34] : memref<1x74xf32, #tpu.memory_space<vmem>>, vector<1x74xf32>
    %add3A_36 = vector.broadcast %get3A_35 : vector<1x74xf32> to vector<2000x74xf32>
    %add3A_37 = arith.addf %dot_general3A_32, %add3A_36 : vector<2000x74xf32>
    %swap3A = arith.constant 0 : index
    %swap3A_38 = arith.constant 0 : index
    %swap3A_39 = vector.load %arg8[%swap3A, %swap3A_38] : memref<2000x74xf32, #tpu.memory_space<vmem>>, vector<2000x74xf32>
    tpu.vector_store %arg8[%swap3A, %swap3A_38], %add3A_37 {strides = array<i32>} : memref<2000x74xf32, #tpu.memory_space<vmem>>, vector<2000x74xf32>,
    %get3A_40 = arith.constant 0 : index
    %get3A_41 = arith.constant 0 : index
    %get3A_42 = vector.load %arg6[%get3A_40, %get3A_41] : memref<128x74xf32, #tpu.memory_space<vmem>>, vector<128x74xf32>
    %dot_general3A_43 = arith.constant dense<0.000000e+00> : vector<2000x74xf32>
    %dot_general3A_44 = tpu.matmul %mul3A_28, %get3A_42, %dot_general3A_43 {dimension_numbers = #tpu.dot_dimension_numbers<[1], [0], [0], [1], [0, 0, 1, 1], [], []>, transpose_lhs_hint = false} : vector<2000x128xf32>, vector<128x74xf32>, vector<2000x74xf32> -> vector<2000x74xf32>
    %get3A_45 = arith.constant 0 : index
    %get3A_46 = arith.constant 0 : index
    %get3A_47 = vector.load %arg7[%get3A_45, %get3A_46] : memref<1x74xf32, #tpu.memory_space<vmem>>, vector<1x74xf32>
    %add3A_48 = vector.broadcast %get3A_47 : vector<1x74xf32> to vector<2000x74xf32>
    %add3A_49 = arith.addf %dot_general3A_44, %add3A_48 : vector<2000x74xf32>
    %swap3A_50 = arith.constant 0 : index
    %swap3A_51 = arith.constant 0 : index
    %swap3A_52 = vector.load %arg9[%swap3A_50, %swap3A_51] : memref<2000x74xf32, #tpu.memory_space<vmem>>, vector<2000x74xf32>
    tpu.vector_store %arg9[%swap3A_50, %swap3A_51], %add3A_49 {strides = array<i32>} : memref<2000x74xf32, #tpu.memory_space<vmem>>, vector<2000x74xf32>,
    return
  }
  func.func @transform_0(%arg0: i32) -> (i32, i32, i32) {
    %c0_i32 = arith.constant 0 : i32
    %c0_i32_0 = arith.constant 0 : i32
    %c0_i32_1 = arith.constant 0 : i32
    return %c0_i32, %arg0, %c0_i32_0 : i32, i32, i32
  }
  func.func @transform_1(%arg0: i32) -> (i32, i32) {
    %c0_i32 = arith.constant 0 : i32
    %c0_i32_0 = arith.constant 0 : i32
    return %arg0, %c0_i32 : i32, i32
  }
  func.func @transform_2(%arg0: i32) -> (i32, i32, i32) {
    %c0_i32 = arith.constant 0 : i32
    %c0_i32_0 = arith.constant 0 : i32
    %c0_i32_1 = arith.constant 0 : i32
    return %c0_i32, %arg0, %c0_i32_0 : i32, i32, i32
  }
  func.func @transform_3(%arg0: i32) -> (i32, i32) {
    %c0_i32 = arith.constant 0 : i32
    %c0_i32_0 = arith.constant 0 : i32
    %c0_i32_1 = arith.constant 0 : i32
    return %c0_i32, %c0_i32_0 : i32, i32
  }
  func.func @transform_4(%arg0: i32) -> (i32, i32) {
    %c0_i32 = arith.constant 0 : i32
    %c0_i32_0 = arith.constant 0 : i32
    %c0_i32_1 = arith.constant 0 : i32
    return %c0_i32, %c0_i32_0 : i32, i32
  }
  func.func @transform_5(%arg0: i32) -> (i32, i32) {
    %c0_i32 = arith.constant 0 : i32
    %c0_i32_0 = arith.constant 0 : i32
    %c0_i32_1 = arith.constant 0 : i32
    return %c0_i32, %c0_i32_0 : i32, i32
  }
  func.func @transform_6(%arg0: i32) -> (i32, i32) {
    %c0_i32 = arith.constant 0 : i32
    %c0_i32_0 = arith.constant 0 : i32
    %c0_i32_1 = arith.constant 0 : i32
    return %c0_i32, %c0_i32_0 : i32, i32
  }
  func.func @transform_7(%arg0: i32) -> (i32, i32) {
    %c0_i32 = arith.constant 0 : i32
    %c0_i32_0 = arith.constant 0 : i32
    return %arg0, %c0_i32 : i32, i32
  }
  func.func @transform_8(%arg0: i32) -> (i32, i32) {
    %c0_i32 = arith.constant 0 : i32
    %c0_i32_0 = arith.constant 0 : i32
    return %arg0, %c0_i32 : i32, i32
  }
}

</mosaic_0001>

<sc_bundles>
// kernel: kernel.6.cloned.1.call-start
scs
__scs_entry_jumppad:
0x0: {  	(pc) =	sbr.rel $0x88, $3  }
0x1: {  	(tag) =	ssettag $0x0;
	lr =	simm.s32 $0x1  }
0x2: {  	[smem:$0x3F95] =	sst lr;
	_ =	strace $0xD0000000  }
0x3: {  	_ = 	snop  }
0x4: {  	_ = 	snop  }
0x5: {  	_ = 	snop  }
0x6: {  	_ = 	snop  }
0x7: {  	_ = 	snop  }
__scs_overlays_trampoline_lowered:
0x8: {  	[smem:$0x3FA4] =	sst s0  }
0x9: {  	[smem:$0x3FA5] =	sst s1  }
0xa: {  	[smem:$0x3FA6] =	sst s2  }
0xb: {  	[smem:$0x3FA7] =	sst s3  }
0xc: {  	[smem:$0x3FA8] =	sst s4  }
0xd: {  	[smem:$0x3FA9] =	sst s5  }
0xe: {  	[smem:$0x3FAA] =	sst s6  }
0xf: {  	[smem:$0x3FAB] =	sst s7  }
0x10: {  	[smem:$0x3FAC] =	sst s8  }
0x11: {  	[smem:$0x3FAD] =	sst s9;
	s0 =	simm.s32 @!p0 $0x0  }
0x12: {  	s1 =	sld [smem:$0x3F93];
	s0 =	simm.s32 @p0 $0x1  }
0x13: {  	[smem:$0x3FAE] =	sst s0;
	s0 =	simm.s32 @!p1 $0x0  }
0x14: {  	s2 =	sld [smem:$0x3F92];
	s0 =	simm.s32 @p1 $0x1  }
0x15: {  	[smem:$0x3FAF] =	sst s0;
	s0 =	simm.s32 @!p2 $0x0  }
0x16: {  	s3 =	sld [smem:$0x3FDB];
	s0 =	simm.s32 @p2 $0x1  }
0x17: {  	s4 =	simm.s32 $0x1BF5;
	[smem:$0x3FB1] =	sst s0  }
0x18: {  	s0 =	sld [smem:$0x3F94];
	_ =	swait.ge [sflag:s4], $0x0  }
0x19: {  	s7 =	sld [smem:$0x3F95]  }
0x1a: {  	s8 =	sadd.s32 $0xFFFFE003, lr  }
0x1b: {  	s9 =	sadd.s32 $0xFFFFFEF7, lr;
	s5 =	simm.s32 $0xFFFFFFFF;
	p2 =	slt.u32 s8, $0xFFFFF086  }
0x1c: {  	p1 =	slt.u32 s9, $0xF7A;
	s5 =	simm.s32 @!p2 $0x0  }
0x1d: {  	s5 =	simm.s32 @p1 $0x1;
	p0 =	seq.s32 s7, s2  }
0x1e: {  	s7 =	smul.u32 @!p0 $0xF7A, s2;
	p2 =	seq.s32 @!p0 s5, $0x0  }
0x1f: {  	s9 =	smul.u32 $0xF7A, s1;
	s8 =	simm.s32 @!p0 $0x1BF5;
	p2 =	por !p2, p0  }
0x20: {  	[sflag:s8] =	ssyncset.s32 @!p0 $0xFFFFF086;
	s6 =	sadd.s32 @!p0 s3, s7;
	s7 =	simm.s32 @!p0 $0x108  }
0x21: {  	s3 =	sadd.s32 s3, s9;
	s6 =	sadd.s32 @!p0 $0x88, s6;
	s7 =	simm.s32 @p2 $0x1082  }
0x22: {  	[simem:s7], [sflag:s8] =	dma.local @!p0 [hbm:s6], $0xF7A  }
0x23: {  	s9 =	sor.u32 $0xD0000000, s2;
	s6 =	simm.s32 $0x108;
	_ =	swait.ge @!p0 [sflag:s8], $0x0  }
0x24: {  	s3 =	sadd.s32 $0x88, s3;
	s6 =	simm.s32 @!p1 $0x1082;
	[sflag:s4] =	ssyncset.s32 $0xFFFFF086  }
0x25: {  	[simem:s6], [sflag:s4] =	dma.local [hbm:s3], $0xF7A  }
0x26: {  	[smem:$0x3F95] =	sst s1;
	(tag) =	ssettag s2;
	_ =	strace s9  }
0x27: {  	s1 =	sld [smem:$0x3FA5]  }
0x28: {  	s2 =	sld [smem:$0x3FA6]  }
0x29: {  	s4 =	sld [smem:$0x3FA8]  }
0x2a: {  	p0 =	seq.s32 s5, $0x0;
	s5 =	sld [smem:$0x3FA9]  }
0x2b: {  	s6 =	sld [smem:$0x3FAA]  }
0x2c: {  	s7 =	sld [smem:$0x3FAB]  }
0x2d: {  	s3 =	simm.s32 $0x108;
	s8 =	sld [smem:$0x3FAC]  }
0x2e: {  	s3 =	simm.s32 @!p0 $0x1082;
	s9 =	sld [smem:$0x3FAD]  }
0x2f: {  	lr =	sadd.s32 s0, s3;
	s0 =	sld [smem:$0x3FA4]  }
0x30: {  	s3 =	sld [smem:$0x3FA7]  }
0x31: {  	[smem:$0x3FB0] =	sst s10  }
0x32: {  	s10 =	sld [smem:$0x3FAE];
	_ =	sdelay $0x3  }
0x33: {  	p0 =	seq.s32 s10, $0x1;
	s10 =	sld [smem:$0x3FB0];
	_ =	sdelay $0x3  }
0x34: {  	[smem:$0x3FB0] =	sst s10  }
0x35: {  	s10 =	sld [smem:$0x3FAF];
	_ =	sdelay $0x3  }
0x36: {  	p1 =	seq.s32 s10, $0x1;
	s10 =	sld [smem:$0x3FB0];
	_ =	sdelay $0x3  }
0x37: {  	[smem:$0x3FB0] =	sst s10  }
0x38: {  	s10 =	sld [smem:$0x3FB1]  }
0x39: {  	_ = 	snop;
	(pc) =	sbr.ind lr, $3  }
0x3a: {  	_ = 	snop  }
0x3b: {  	_ = 	snop  }
0x3c: {  	p2 =	seq.s32 s10, $0x1;
	s10 =	sld [smem:$0x3FB0]  }
0x3d: {  	_ =	shalt  }
0x3e: {  	_ =	shalt  }
0x3f: {  	_ =	shalt  }
0x40: {  	_ =	shalt  }
0x41: {  	_ =	shalt  }
0x42: {  	_ =	shalt  }
0x43: {  	_ =	shalt  }
0x44: {  	_ =	shalt  }
0x45: {  	_ =	shalt  }
0x46: {  	_ =	shalt  }
0x47: {  	_ =	shalt  }
0x48: {  	_ =	shalt  }
0x49: {  	_ =	shalt  }
0x4a: {  	_ =	shalt  }
0x4b: {  	_ =	shalt  }
0x4c: {  	_ =	shalt  }
0x4d: {  	_ =	shalt  }
0x4e: {  	_ =	shalt  }
0x4f: {  	_ =	shalt  }
0x50: {  	_ =	shalt  }
0x51: {  	_ =	shalt  }
0x52: {  	_ =	shalt  }
0x53: {  	_ =	shalt  }
0x54: {  	_ =	shalt  }
0x55: {  	_ =	shalt  }
0x56: {  	_ =	shalt  }
0x57: {  	_ =	shalt  }
0x58: {  	_ =	shalt  }
0x59: {  	_ =	shalt  }
0x5a: {  	_ =	shalt  }
0x5b: {  	_ =	shalt  }
0x5c: {  	_ =	shalt  }
0x5d: {  	_ =	shalt  }
0x5e: {  	_ =	shalt  }
0x5f: {  	_ =	shalt  }
0x60: {  	_ =	shalt  }
0x61: {  	_ =	shalt  }
0x62: {  	_ =	shalt  }
0x63: {  	_ =	shalt  }
0x64: {  	_ =	shalt  }
0x65: {  	_ =	shalt  }
0x66: {  	_ =	shalt  }
0x67: {  	_ =	shalt  }
0x68: {  	_ =	shalt  }
0x69: {  	_ =	shalt  }
0x6a: {  	_ =	shalt  }
0x6b: {  	_ =	shalt  }
0x6c: {  	_ =	shalt  }
0x6d: {  	_ =	shalt  }
0x6e: {  	_ =	shalt  }
0x6f: {  	_ =	shalt  }
0x70: {  	_ =	shalt  }
0x71: {  	_ =	shalt  }
0x72: {  	_ =	shalt  }
0x73: {  	_ =	shalt  }
0x74: {  	_ =	shalt  }
0x75: {  	_ =	shalt  }
0x76: {  	_ =	shalt  }
0x77: {  	_ =	shalt  }
0x78: {  	_ =	shalt  }
0x79: {  	_ =	shalt  }
0x7a: {  	_ =	shalt  }
0x7b: {  	_ =	shalt  }
0x7c: {  	_ =	shalt  }
0x7d: {  	_ =	shalt  }
0x7e: {  	_ =	shalt  }
0x7f: {  	_ =	shalt  }
0x80: {  	_ =	shalt  }
0x81: {  	_ =	shalt  }
0x82: {  	_ =	shalt  }
0x83: {  	_ =	shalt  }
0x84: {  	_ =	shalt  }
0x85: {  	_ =	shalt  }
0x86: {  	_ =	shalt  }
0x87: {  	_ =	shalt  }
.Lfunc_end0:
.L_simem_size_0:
called_computation_lowered:
.L_overlay_start_0:
0x88: {  	s2 =	sld [smem:$0x3FD9]  }
0x89: {  	s3 =	sld [smem:$0x3FFE];
	_ =	sdelay $0x1  }
0x8a: {  	s1 =	srdreg.scid  }
0x8b: {  	s0 =	sand.u32 $0x1, s1  }
0x8c: {  	s14 =	sshll.u32 s0, $0xA;
	s2 =	sadd.s32 s3, s2  }
0x8d: {  	s2 =	sadd.s32 s2, s14  }
0x8e: {  	[smem:$0x3FBC] =	sst s2  }
0x8f: {  	_ = 	snop  }
0x90: {  	s2 =	sld [smem:$0x3FD0];
	_ =	sdelay $0x2  }
0x91: {  	s15 =	simm.s32 $0xA;
	s4 =	simm.s32 $0x10  }
0x92: {  	[smem:s4], [sflag:s15] =	dma.local [hbm:s2], $0x1  }
0x93: {  	_ =	swait.eq [sflag:s15], $0x1  }
0x94: {  	[sflag:s15] =	ssyncset.done $0x0  }
0x95: {  	[sflag:s15] =	ssyncadd.s32 $0xFFFFFFFF  }
0x96: {  	s16 =	sld [smem:$0x11];
	(tm) =	ssettm $0x1  }
0x97: {  	s17 =	sld [smem:$0x3FFB];
	_ =	sdelay $0x3  }
0x98: {  	_ =	strace s17  }
0x99: {  	s3 =	sld [smem:$0x3FFC];
	_ =	sdelay $0x3  }
0x9a: {  	_ =	strace s3  }
0x9b: {  	s3 =	sld [smem:$0x3FFD];
	_ =	sdelay $0x3  }
0x9c: {  	_ =	strace s3  }
0x9d: {  	_ =	strace $0x8FFFFFFF  }
0x9e: {  	s18 =	sld [smem:$0x3FDB];
	_ =	sdelay $0x1  }
0x9f: {  	s19 =	simm.s32 $_scs_section_size  }
0xa0: {  	s5 =	simm.s32 $_size__tile_overlayer_lowered;
	s6 =	simm.s32 $_tile_overlayer_lowered  }
0xa1: {  	s22 =	simm.s32 $0x1BFF;
	s21 =	sshll.u32 s6, $0x1;
	s3 =	sadd.s32 s19, s18  }
0xa2: {  	s7 =	simm.s32 $0x0;
	s20 =	sshll.u32 s5, $0x1;
	s5 =	sadd.s32 s21, s3  }
0xa3: {  	[timem:s7], [sflag:s22] =	dma.local [hbm:s5], s20  }
0xa4: {  	_ =	swait.ge [sflag:s22], s20  }
0xa5: {  	s4 =	ssub.s32 $0x0, s20;
	[sflag:s22] =	ssyncset.done $0x0  }
0xa6: {  	[sflag:s22] =	ssyncadd.s32 s4;
	_ =	sdelay $0x1  }
0xa7: {  	s23 =	simm.s32 $0x1B8B  }
0xa8: {  	_ =	swait.ge [sflag:s23], $0x1  }
0xa9: {  	[sflag:s23] =	ssyncset.done $0x0  }
0xaa: {  	s25 =	simm.s32 $0x1B8E;
	s24 =	sld [smem:$0x3FFE];
	[sflag:s23] =	ssyncadd.s32 $0xFFFFFFFF  }
0xab: {  	s26 =	simm.s32 $execute0_lowered;
	[smem:$0x3FD2] =	sst s25  }
0xac: {  	s5 =	sshll.u32 s26, $0x1;
	_ =	strace $0x80000046;
	[dreg:$0x1] =	wrdreg $0xFFFFFFFF  }
0xad: {  	s28 =	simm.s32 $_size_execute0_lowered;
	s3 =	sadd.s32 s3, s5;
	[dreg:$0x0] =	wrdreg $0x0  }
0xae: {  	s5 =	sshll.u32 s28, $0x1;
	[dreg:$0x2] =	wrdreg s3  }
0xaf: {  	[dreg:$0x3] =	wrdreg s5  }
0xb0: {  	[dreg:$0x4] =	wrdreg $0xC0  }
0xb1: {  	_ =	task [dreg:s7], $0x5FFFF  }
0xb2: {  	[dreg:$0x1] =	wrdreg $0xFFFFFFFF  }
0xb3: {  	[dreg:$0x0] =	wrdreg $0x60  }
0xb4: {  	[dreg:$0x2] =	wrdreg s24  }
0xb5: {  	[dreg:$0x3] =	wrdreg s16  }
0xb6: {  	[dreg:$0x4] =	wrdreg $0x0  }
0xb7: {  	[dreg:$0x5] =	wrdreg $0x9  }
0xb8: {  	_ =	task.clear_ibuf [dreg:s7], $0x6FFFF;
	_ =	strace $0x90000046  }
0xb9: {  	s29 =	simm.s32 $0x9;
	_ =	strace $0x80000048  }
0xba: {  	_ =	swait.ge [sflag:s29], $0x1  }
0xbb: {  	[sflag:s29] =	ssyncadd.s32 $0xFFFFFFFF  }
0xbc: {  	_ =	strace $0x90000048  }
0xbd: {  	_ =	sfence  }
0xbe: {  	s30 =	sld [smem:$0x0];
	_ =	sdelay $0x2  }
0xbf: {  	s31 =	sshll.u32 s1, $0xD;
	s1 =	sshrl.u32 s1, $0x2  }
0xc0: {  	s3 =	sand.u32 $0x4000, s31;
	s1 =	sadd.s32 s1, s30  }
0xc1: {  	s0 =	sor.u32 s3, s0;
	s1 =	sshll.u32 s1, $0x11  }
0xc2: {  	s0 =	sor.u32 s1, s0  }
0xc3: {  	s0 =	sadd.s32 $0x8F2B, s0  }
0xc4: {  	[sflag:s0] =	ssyncadd.remote.s32 $0x1  }
0xc5: {  	_ =	sfence.sel $0xFFFF  }
0xc6: {  	[dreg:$0x0] =	wrdreg $0xFFFFFFFF;
	(pc) =	sbr.abs _section_cstart, $3  }
0xc7: {  	[dreg:$0x1] =	wrdreg $0xFFFFFFFF  }
0xc8: {  	_ =	task.clear_ibuf [dreg:s7], $0x2FFFF;
	_ =	strace $0x9FFFFFFF  }
0xc9: {  	(tm) =	ssettm $0x7FFFFFFF  }
tec
execute0_lowered:
.L_overlay_start_1:
0x0: {  	(tag) =	ssettag $0x1  }
0x1: {  	s1 =	rddreg [dreg:$0x0]  }
0x2: {  	s0 =	srdreg.scid;
	s7 =	rddreg [dreg:$0x1]  }
0x3: {  	s12 =	stileid.u32;
	s2 =	rddreg [dreg:$0x2];
	s11 =	simm.s32 $0x2800  }
0x4: {  	s14 =	simm.s32 $0x50;
	s21 =	simm.s32 $0x2A30;
	s22 =	simm.s32 $0x1  }
0x5: {  	s23 =	simm.s32 $0x2;
	s24 =	simm.s32 $0x3;
	s28 =	simm.s32 $0x6  }
0x6: {  	s29 =	simm.s32 $0x7;
	s30 =	simm.s32 $0x8;
	s31 =	simm.s32 $0x4D80  }
0x7: {  	s15 =	simm.s32 $0x4E70;
	s16 =	simm.s32 $0x4EC0;
	s17 =	simm.s32 $0x0  }
0x8: {  	s0 =	sand.u32 $0x1, s0;
	s8 =	smul.u32 $0x2800, s12;
	s5 =	sadd.s32 $0xCC00, s1  }
0x9: {  	s26 =	sshll.u32 s12, $0x6;
	s3 =	sshll.u32 s0, $0x4;
	s6 =	ssub.s32 $0x2, s0  }
0xa: {  	s0 =	smul.u32 $0x28000, s0;
	s4 =	sor.u32 s12, s3;
	s3 =	simm.s32 $0x0  }
0xb: {  	s10 =	sshrl.u32 s6, $0x1;
	s13 =	sadd.s32 s8, s2;
	s12 =	sor.u32 $0x1C09, s26  }
0xc: {  	s26 =	simm.s32 $0x5;
	s4 =	smul.u32 $0x4E2, s4;
	[smem:$0x7FF] =	sst s3  }
0xd: {  	s25 =	ssub.s32 s6, s10;
	s0 =	sadd.s32 s8, s0;
	s10 =	simm.s32 $0x9  }
0xe: {  	s13 =	sshrl.u32 s13, $0x3;
	_ =	strace $0x80000047;
	s0 =	sshrl.u32 s0, $0x3  }
0xf: {  	s8 =	smax.u32 s25, $0x1;
	s25 =	simm.s32 $0x4;
	s9 =	sadd.s32 s4, s1  }
0x10: {  	s4 =	sadd.s32 $0xCE00, s1;
	s7 =	sadd.s32 s7, s0;
	s1 =	simm.s32 $0x4DD0  }
0x11: {  	s0 =	simm.s32 $0x4E20;
	s6 =	sadd.s32 $0x2E00, s9;
	s9 =	simm.s32 $0x4F10  }
.LBB2_1:
0x12: {  	[tilespmem:s9], [sflag:$0x9] =	stream.linear.gather [hbm4b:s5+s3], $0x500, $0x38;
	[tilespmem:$0x5410] =	vst v63  }
0x13: {  	_ =	swait.ge [sflag:s10], $0x500  }
0x14: {  	[sflag:s10] =	ssyncset.done $0x0  }
0x15: {  	[sflag:s10] =	ssyncadd.s32 $0xFFFFFB00  }
0x16: {  	[tilespmem:s11], [sflag:$0x9] =	stream.linear.gather [hbm4b:s6+s3], $0x2710, $0x38;
	[tilespmem:$0x5410] =	vst v63  }
0x17: {  	_ =	swait.ge [sflag:s10], $0x2710  }
0x18: {  	[sflag:s10] =	ssyncset.done $0x0  }
0x19: {  	[sflag:s10] =	ssyncadd.s32 $0xFFFFD8F0  }
0x1a: {  	[spmem:s13], [sflag:s12] =	dma.local [hbm:s4], $0x500  }
0x1b: {  	_ =	swait.ge [sflag:s10], $0x500  }
0x1c: {  	[sflag:s10] =	ssyncset.done $0x0  }
0x1d: {  	[sflag:s10] =	ssyncadd.s32 $0xFFFFFB00  }
0x1e: {  	[bflag:$0x0] =	sbarrier.arrive $0xFFFF  }
0x1f: {  	[spmem:s2] =	stream.indirect.scatter.add.f32 [tilespmem:s9], [sflag:$0x1], $0x10, s11, s14, $0xb8;
	[tilespmem:$0x5410] =	vst v63  }
0x20: {  	s18 =	simm.s32 $0x2850  }
0x21: {  	[spmem:s2] =	stream.indirect.scatter.add.f32 [tilespmem:s9], [sflag:$0x2], $0x10, s18, s14, $0xb8;
	[tilespmem:$0x5410] =	vst v63  }
0x22: {  	s19 =	simm.s32 $0x28A0  }
0x23: {  	[spmem:s2] =	stream.indirect.scatter.add.f32 [tilespmem:s9], [sflag:$0x3], $0x10, s19, s14, $0xb8;
	[tilespmem:$0x5410] =	vst v63  }
0x24: {  	s20 =	simm.s32 $0x28F0  }
0x25: {  	[spmem:s2] =	stream.indirect.scatter.add.f32 [tilespmem:s9], [sflag:$0x4], $0x10, s20, s14, $0xb8;
	[tilespmem:$0x5410] =	vst v63  }
0x26: {  	s19 =	simm.s32 $0x2940  }
0x27: {  	[spmem:s2] =	stream.indirect.scatter.add.f32 [tilespmem:s9], [sflag:$0x5], $0x10, s19, s14, $0xb8;
	[tilespmem:$0x5410] =	vst v63  }
0x28: {  	s20 =	simm.s32 $0x2990  }
0x29: {  	[spmem:s2] =	stream.indirect.scatter.add.f32 [tilespmem:s9], [sflag:$0x6], $0x10, s20, s14, $0xb8;
	[tilespmem:$0x5410] =	vst v63  }
0x2a: {  	s19 =	simm.s32 $0x29E0  }
0x2b: {  	[spmem:s2] =	stream.indirect.scatter.add.f32 [tilespmem:s9], [sflag:$0x7], $0x10, s19, s14, $0xb8;
	[tilespmem:$0x5410] =	vst v63  }
0x2c: {  	_ = 	snop  }
0x2d: {  	[spmem:s2] =	stream.indirect.scatter.add.f32 [tilespmem:s9], [sflag:$0x8], $0x10, s21, s14, $0xb8;
	[tilespmem:$0x5410] =	vst v63  }
0x2e: {  	_ =	swait.ge [sflag:s22], $0x500  }
0x2f: {  	[sflag:s22] =	ssyncset.done $0x0  }
0x30: {  	s20 =	simm.s32 $0x2A80;
	[sflag:s22] =	ssyncadd.s32 $0xFFFFFB00  }
0x31: {  	[spmem:s2] =	stream.indirect.scatter.add.f32 [tilespmem:s9], [sflag:$0x1], $0x10, s20, s14, $0xb8;
	[tilespmem:$0x5410] =	vst v63  }
0x32: {  	_ =	swait.ge [sflag:s23], $0x500  }
0x33: {  	[sflag:s23] =	ssyncset.done $0x0  }
0x34: {  	s19 =	simm.s32 $0x2AD0;
	[sflag:s23] =	ssyncadd.s32 $0xFFFFFB00  }
0x35: {  	[spmem:s2] =	stream.indirect.scatter.add.f32 [tilespmem:s9], [sflag:$0x2], $0x10, s19, s14, $0xb8;
	[tilespmem:$0x5410] =	vst v63  }
0x36: {  	_ =	swait.ge [sflag:s24], $0x500  }
0x37: {  	[sflag:s24] =	ssyncset.done $0x0  }
0x38: {  	s20 =	simm.s32 $0x2B20;
	[sflag:s24] =	ssyncadd.s32 $0xFFFFFB00  }
0x39: {  	[spmem:s2] =	stream.indirect.scatter.add.f32 [tilespmem:s9], [sflag:$0x3], $0x10, s20, s14, $0xb8;
	[tilespmem:$0x5410] =	vst v63  }
0x3a: {  	_ =	swait.ge [sflag:s25], $0x500  }
0x3b: {  	[sflag:s25] =	ssyncset.done $0x0  }
0x3c: {  	s19 =	simm.s32 $0x2B70;
	[sflag:s25] =	ssyncadd.s32 $0xFFFFFB00  }
0x3d: {  	[spmem:s2] =	stream.indirect.scatter.add.f32 [tilespmem:s9], [sflag:$0x4], $0x10, s19, s14, $0xb8;
	[tilespmem:$0x5410] =	vst v63  }
0x3e: {  	_ =	swait.ge [sflag:s26], $0x500  }
0x3f: {  	[sflag:s26] =	ssyncset.done $0x0  }
0x40: {  	s20 =	simm.s32 $0x2BC0;
	[sflag:s26] =	ssyncadd.s32 $0xFFFFFB00  }
0x41: {  	[spmem:s2] =	stream.indirect.scatter.add.f32 [tilespmem:s9], [sflag:$0x5], $0x10, s20, s14, $0xb8;
	[tilespmem:$0x5410] =	vst v63  }
0x42: {  	_ =	swait.ge [sflag:s28], $0x500  }
0x43: {  	[sflag:s28] =	ssyncset.done $0x0  }
0x44: {  	s19 =	simm.s32 $0x2C10;
	[sflag:s28] =	ssyncadd.s32 $0xFFFFFB00  }
0x45: {  	[spmem:s2] =	stream.indirect.scatter.add.f32 [tilespmem:s9], [sflag:$0x6], $0x10, s19, s14, $0xb8;
	[tilespmem:$0x5410] =	vst v63  }
0x46: {  	_ =	swait.ge [sflag:s29], $0x500  }
0x47: {  	[sflag:s29] =	ssyncset.done $0x0  }
0x48: {  	s20 =	simm.s32 $0x2C60;
	[sflag:s29] =	ssyncadd.s32 $0xFFFFFB00  }
0x49: {  	[spmem:s2] =	stream.indirect.scatter.add.f32 [tilespmem:s9], [sflag:$0x7], $0x10, s20, s14, $0xb8;
	[tilespmem:$0x5410] =	vst v63  }
0x4a: {  	_ =	swait.ge [sflag:s30], $0x500  }
0x4b: {  	[sflag:s30] =	ssyncset.done $0x0  }
0x4c: {  	s18 =	simm.s32 $0xA00;
	s19 =	simm.s32 $0x2CB0;
	[sflag:s30] =	ssyncadd.s32 $0xFFFFFB00  }
.LBB2_2:
0x4d: {  	[spmem:s2] =	stream.indirect.scatter.add.f32 [tilespmem:s9], [sflag:$0x8], $0x10, s19, s14, $0xb8;
	[tilespmem:$0x5410] =	vst v63  }
0x4e: {  	s19 =	smov.u32 s18  }
0x4f: {  	p0 =	sne.s32 s18, $0x8200;
	s18 =	sadd.s32 $0xA00, s18;
	_ =	swait.ge [sflag:s22], $0x500  }
0x50: {  	s19 =	sshra.s32 s19, $0x2;
	[sflag:s22] =	ssyncset.done $0x0  }
0x51: {  	s20 =	sadd.s32 $0x2A80, s19;
	[sflag:s22] =	ssyncadd.s32 $0xFFFFFB00  }
0x52: {  	[spmem:s2] =	stream.indirect.scatter.add.f32 [tilespmem:s9], [sflag:$0x1], $0x10, s20, s14, $0xb8;
	[tilespmem:$0x5410] =	vst v63  }
0x53: {  	_ =	swait.ge [sflag:s23], $0x500  }
0x54: {  	[sflag:s23] =	ssyncset.done $0x0  }
0x55: {  	s20 =	sadd.s32 $0x2AD0, s19;
	[sflag:s23] =	ssyncadd.s32 $0xFFFFFB00  }
0x56: {  	[spmem:s2] =	stream.indirect.scatter.add.f32 [tilespmem:s9], [sflag:$0x2], $0x10, s20, s14, $0xb8;
	[tilespmem:$0x5410] =	vst v63  }
0x57: {  	_ =	swait.ge [sflag:s24], $0x500  }
0x58: {  	[sflag:s24] =	ssyncset.done $0x0  }
0x59: {  	s20 =	sadd.s32 $0x2B20, s19;
	[sflag:s24] =	ssyncadd.s32 $0xFFFFFB00  }
0x5a: {  	[spmem:s2] =	stream.indirect.scatter.add.f32 [tilespmem:s9], [sflag:$0x3], $0x10, s20, s14, $0xb8;
	[tilespmem:$0x5410] =	vst v63  }
0x5b: {  	_ =	swait.ge [sflag:s25], $0x500  }
0x5c: {  	[sflag:s25] =	ssyncset.done $0x0  }
0x5d: {  	s20 =	sadd.s32 $0x2B70, s19;
	[sflag:s25] =	ssyncadd.s32 $0xFFFFFB00  }
0x5e: {  	[spmem:s2] =	stream.indirect.scatter.add.f32 [tilespmem:s9], [sflag:$0x4], $0x10, s20, s14, $0xb8;
	[tilespmem:$0x5410] =	vst v63  }
0x5f: {  	_ =	swait.ge [sflag:s26], $0x500  }
0x60: {  	[sflag:s26] =	ssyncset.done $0x0  }
0x61: {  	s20 =	sadd.s32 $0x2BC0, s19;
	[sflag:s26] =	ssyncadd.s32 $0xFFFFFB00  }
0x62: {  	[spmem:s2] =	stream.indirect.scatter.add.f32 [tilespmem:s9], [sflag:$0x5], $0x10, s20, s14, $0xb8;
	[tilespmem:$0x5410] =	vst v63  }
0x63: {  	_ =	swait.ge [sflag:s28], $0x500  }
0x64: {  	[sflag:s28] =	ssyncset.done $0x0  }
0x65: {  	s20 =	sadd.s32 $0x2C10, s19;
	[sflag:s28] =	ssyncadd.s32 $0xFFFFFB00  }
0x66: {  	[spmem:s2] =	stream.indirect.scatter.add.f32 [tilespmem:s9], [sflag:$0x6], $0x10, s20, s14, $0xb8;
	[tilespmem:$0x5410] =	vst v63  }
0x67: {  	_ =	swait.ge [sflag:s29], $0x500  }
0x68: {  	[sflag:s29] =	ssyncset.done $0x0  }
.Ltmp0:
0x69: {  	s20 =	sadd.s32 $0x2C60, s19;
	[sflag:s29] =	ssyncadd.s32 $0xFFFFFB00;
	(pc) =	sbr.rel @p0 .LBB2_2-.Ltmp0, $4  }
0x6a: {  	[spmem:s2] =	stream.indirect.scatter.add.f32 [tilespmem:s9], [sflag:$0x7], $0x10, s20, s14, $0xb8;
	[tilespmem:$0x5410] =	vst v63  }
0x6b: {  	_ =	swait.ge [sflag:s30], $0x500  }
0x6c: {  	[sflag:s30] =	ssyncset.done $0x0  }
0x6d: {  	s19 =	sadd.s32 $0x2CB0, s19;
	[sflag:s30] =	ssyncadd.s32 $0xFFFFFB00  }
0x6e: {  	[spmem:s2] =	stream.indirect.scatter.add.f32 [tilespmem:s9], [sflag:$0x8], $0x10, s19, s14, $0xb8;
	[tilespmem:$0x5410] =	vst v63  }
0x6f: {  	_ =	swait.ge [sflag:s22], $0x500  }
0x70: {  	[sflag:s22] =	ssyncset.done $0x0  }
0x71: {  	[sflag:s22] =	ssyncadd.s32 $0xFFFFFB00  }
0x72: {  	[spmem:s2] =	stream.indirect.scatter.add.f32 [tilespmem:s9], [sflag:$0x1], $0x10, s31, s14, $0xb8;
	[tilespmem:$0x5410] =	vst v63  }
0x73: {  	_ =	swait.ge [sflag:s23], $0x500  }
0x74: {  	[sflag:s23] =	ssyncset.done $0x0  }
0x75: {  	[sflag:s23] =	ssyncadd.s32 $0xFFFFFB00  }
0x76: {  	[spmem:s2] =	stream.indirect.scatter.add.f32 [tilespmem:s9], [sflag:$0x2], $0x10, s1, s14, $0xb8;
	[tilespmem:$0x5410] =	vst v63  }
0x77: {  	_ =	swait.ge [sflag:s24], $0x500  }
0x78: {  	[sflag:s24] =	ssyncset.done $0x0  }
0x79: {  	[sflag:s24] =	ssyncadd.s32 $0xFFFFFB00  }
0x7a: {  	[spmem:s2] =	stream.indirect.scatter.add.f32 [tilespmem:s9], [sflag:$0x3], $0x10, s0, s14, $0xb8;
	[tilespmem:$0x5410] =	vst v63  }
0x7b: {  	_ =	swait.ge [sflag:s25], $0x500  }
0x7c: {  	[sflag:s25] =	ssyncset.done $0x0  }
0x7d: {  	[sflag:s25] =	ssyncadd.s32 $0xFFFFFB00  }
0x7e: {  	[spmem:s2] =	stream.indirect.scatter.add.f32 [tilespmem:s9], [sflag:$0x4], $0x10, s15, s14, $0xb8;
	[tilespmem:$0x5410] =	vst v63  }
0x7f: {  	_ =	swait.ge [sflag:s26], $0x500  }
0x80: {  	[sflag:s26] =	ssyncset.done $0x0  }
0x81: {  	[sflag:s26] =	ssyncadd.s32 $0xFFFFFB00  }
0x82: {  	[spmem:s2] =	stream.indirect.scatter.add.f32 [tilespmem:s9], [sflag:$0x5], $0x10, s16, s14, $0xb8;
	[tilespmem:$0x5410] =	vst v63  }
0x83: {  	_ =	swait.ge [sflag:s22], $0x500  }
0x84: {  	[sflag:s22] =	ssyncset.done $0x0  }
0x85: {  	[sflag:s22] =	ssyncadd.s32 $0xFFFFFB00  }
0x86: {  	_ =	swait.ge [sflag:s23], $0x500  }
0x87: {  	[sflag:s23] =	ssyncset.done $0x0  }
0x88: {  	[sflag:s23] =	ssyncadd.s32 $0xFFFFFB00  }
0x89: {  	_ =	swait.ge [sflag:s24], $0x500  }
0x8a: {  	[sflag:s24] =	ssyncset.done $0x0  }
0x8b: {  	[sflag:s24] =	ssyncadd.s32 $0xFFFFFB00  }
0x8c: {  	_ =	swait.ge [sflag:s25], $0x500  }
0x8d: {  	[sflag:s25] =	ssyncset.done $0x0  }
0x8e: {  	[sflag:s25] =	ssyncadd.s32 $0xFFFFFB00  }
0x8f: {  	_ =	swait.ge [sflag:s26], $0x500  }
0x90: {  	[sflag:s26] =	ssyncset.done $0x0  }
0x91: {  	[sflag:s26] =	ssyncadd.s32 $0xFFFFFB00  }
0x92: {  	_ =	swait.ge [sflag:s28], $0x500  }
0x93: {  	[sflag:s28] =	ssyncset.done $0x0  }
0x94: {  	[sflag:s28] =	ssyncadd.s32 $0xFFFFFB00  }
0x95: {  	_ =	swait.ge [sflag:s29], $0x500  }
0x96: {  	[sflag:s29] =	ssyncset.done $0x0  }
0x97: {  	[sflag:s29] =	ssyncadd.s32 $0xFFFFFB00  }
0x98: {  	_ =	swait.ge [sflag:s30], $0x500  }
0x99: {  	s17 =	sadd.s32 $0x1, s17;
	[sflag:s30] =	ssyncset.done $0x0  }
0x9a: {  	p0 =	sne.s32 s17, s8;
	[sflag:s30] =	ssyncadd.s32 $0xFFFFFB00  }
.Ltmp1:
0x9b: {  	[bflag:$0x0] =	sbarrier.arrive $0xFFFF;
	(pc) =	sbr.rel @p0 .LBB2_1-.Ltmp1, $4  }
0x9c: {  	[hbm:s7], [sflag:s12] =	dma.local [spmem:s13], $0x500  }
0x9d: {  	_ =	swait.ge [sflag:s10], $0x500  }
0x9e: {  	[sflag:s10] =	ssyncset.done $0x0  }
0x9f: {  	[sflag:s10] =	ssyncadd.s32 $0xFFFFFB00  }
0xa0: {  	_ =	sfence.sel $0x180000  }
0xa1: {  	[bflag:$0x0] =	sbarrier.arrive $0xFFFF  }
0xa2: {  	_ =	strace $0x90000047  }
0xa3: {  	s0 =	stileid.u32;
	[bflag:$0x2] =	sbarrier.arrive $0xFFFF  }
0xa4: {  	p0 =	sne.s32 s0, $0x0;
	s0 =	rddreg [dreg:$0x3]  }
0xa5: {  	s0 =	sadd.s32 @!p0 $0x100000, s0  }
0xa6: {  	[sflag:s0] =	ssyncadd.tile.s32 @!p0 $0x1;
	_ =	shalt  }
.Lfunc_end2:
_tile_overlayer_lowered:
.L_overlay_start_2:
0xa7: {  	(tag) =	ssettag $0x2  }
0xa8: {  	s0 =	rddreg [dreg:$0x0];
	s2 =	stileid.u32  }
0xa9: {  	s1 =	rddreg [dreg:$0x1];
	p0 =	sne.s32 s2, $0x0  }
0xaa: {  	s3 =	rddreg [dreg:$0x2];
	[bflag:$0x3] =	sbarrier.arrive $0xFFFF;
	s2 =	simm.s32 @!p0 $0x1C09  }
0xab: {  	[timem:s3], [sflag:s2] =	dma.local @!p0 [hbm:s0], s1  }
0xac: {  	s0 =	simm.s32 @!p0 $0x9  }
0xad: {  	_ =	swait.ge @!p0 [sflag:s0], s1  }
0xae: {  	s1 =	ssub.s32 @!p0 $0x0, s1;
	[sflag:s0] =	ssyncset.done @!p0 $0x0  }
0xaf: {  	[sflag:s0] =	ssyncadd.s32 @!p0 s1  }
0xb0: {  	[bflag:$0x3] =	sbarrier.arrive $0xFFFF  }
0xb1: {  	_ =	shalt  }

// kernel: kernel.9.cloned.1.call-start
scs
__scs_entry_jumppad:
0x0: {  	(pc) =	sbr.rel $0x88, $3  }
0x1: {  	(tag) =	ssettag $0x0;
	lr =	simm.s32 $0x1  }
0x2: {  	[smem:$0x3F95] =	sst lr;
	_ =	strace $0xD0000000  }
0x3: {  	_ = 	snop  }
0x4: {  	_ = 	snop  }
0x5: {  	_ = 	snop  }
0x6: {  	_ = 	snop  }
0x7: {  	_ = 	snop  }
__scs_overlays_trampoline_lowered:
0x8: {  	[smem:$0x3FA4] =	sst s0  }
0x9: {  	[smem:$0x3FA5] =	sst s1  }
0xa: {  	[smem:$0x3FA6] =	sst s2  }
0xb: {  	[smem:$0x3FA7] =	sst s3  }
0xc: {  	[smem:$0x3FA8] =	sst s4  }
0xd: {  	[smem:$0x3FA9] =	sst s5  }
0xe: {  	[smem:$0x3FAA] =	sst s6  }
0xf: {  	[smem:$0x3FAB] =	sst s7  }
0x10: {  	[smem:$0x3FAC] =	sst s8  }
0x11: {  	[smem:$0x3FAD] =	sst s9;
	s0 =	simm.s32 @!p0 $0x0  }
0x12: {  	s1 =	sld [smem:$0x3F93];
	s0 =	simm.s32 @p0 $0x1  }
0x13: {  	[smem:$0x3FAE] =	sst s0;
	s0 =	simm.s32 @!p1 $0x0  }
0x14: {  	s2 =	sld [smem:$0x3F92];
	s0 =	simm.s32 @p1 $0x1  }
0x15: {  	[smem:$0x3FAF] =	sst s0;
	s0 =	simm.s32 @!p2 $0x0  }
0x16: {  	s3 =	sld [smem:$0x3FDB];
	s0 =	simm.s32 @p2 $0x1  }
0x17: {  	s4 =	simm.s32 $0x1BF5;
	[smem:$0x3FB1] =	sst s0  }
0x18: {  	s0 =	sld [smem:$0x3F94];
	_ =	swait.ge [sflag:s4], $0x0  }
0x19: {  	s7 =	sld [smem:$0x3F95]  }
0x1a: {  	s8 =	sadd.s32 $0xFFFFE003, lr  }
0x1b: {  	s9 =	sadd.s32 $0xFFFFFEF7, lr;
	s5 =	simm.s32 $0xFFFFFFFF;
	p2 =	slt.u32 s8, $0xFFFFF086  }
0x1c: {  	p1 =	slt.u32 s9, $0xF7A;
	s5 =	simm.s32 @!p2 $0x0  }
0x1d: {  	s5 =	simm.s32 @p1 $0x1;
	p0 =	seq.s32 s7, s2  }
0x1e: {  	s7 =	smul.u32 @!p0 $0xF7A, s2;
	p2 =	seq.s32 @!p0 s5, $0x0  }
0x1f: {  	s9 =	smul.u32 $0xF7A, s1;
	s8 =	simm.s32 @!p0 $0x1BF5;
	p2 =	por !p2, p0  }
0x20: {  	[sflag:s8] =	ssyncset.s32 @!p0 $0xFFFFF086;
	s6 =	sadd.s32 @!p0 s3, s7;
	s7 =	simm.s32 @!p0 $0x108  }
0x21: {  	s3 =	sadd.s32 s3, s9;
	s6 =	sadd.s32 @!p0 $0x88, s6;
	s7 =	simm.s32 @p2 $0x1082  }
0x22: {  	[simem:s7], [sflag:s8] =	dma.local @!p0 [hbm:s6], $0xF7A  }
0x23: {  	s9 =	sor.u32 $0xD0000000, s2;
	s6 =	simm.s32 $0x108;
	_ =	swait.ge @!p0 [sflag:s8], $0x0  }
0x24: {  	s3 =	sadd.s32 $0x88, s3;
	s6 =	simm.s32 @!p1 $0x1082;
	[sflag:s4] =	ssyncset.s32 $0xFFFFF086  }
0x25: {  	[simem:s6], [sflag:s4] =	dma.local [hbm:s3], $0xF7A  }
0x26: {  	[smem:$0x3F95] =	sst s1;
	(tag) =	ssettag s2;
	_ =	strace s9  }
0x27: {  	s1 =	sld [smem:$0x3FA5]  }
0x28: {  	s2 =	sld [smem:$0x3FA6]  }
0x29: {  	s4 =	sld [smem:$0x3FA8]  }
0x2a: {  	p0 =	seq.s32 s5, $0x0;
	s5 =	sld [smem:$0x3FA9]  }
0x2b: {  	s6 =	sld [smem:$0x3FAA]  }
0x2c: {  	s7 =	sld [smem:$0x3FAB]  }
0x2d: {  	s3 =	simm.s32 $0x108;
	s8 =	sld [smem:$0x3FAC]  }
0x2e: {  	s3 =	simm.s32 @!p0 $0x1082;
	s9 =	sld [smem:$0x3FAD]  }
0x2f: {  	lr =	sadd.s32 s0, s3;
	s0 =	sld [smem:$0x3FA4]  }
0x30: {  	s3 =	sld [smem:$0x3FA7]  }
0x31: {  	[smem:$0x3FB0] =	sst s10  }
0x32: {  	s10 =	sld [smem:$0x3FAE];
	_ =	sdelay $0x3  }
0x33: {  	p0 =	seq.s32 s10, $0x1;
	s10 =	sld [smem:$0x3FB0];
	_ =	sdelay $0x3  }
0x34: {  	[smem:$0x3FB0] =	sst s10  }
0x35: {  	s10 =	sld [smem:$0x3FAF];
	_ =	sdelay $0x3  }
0x36: {  	p1 =	seq.s32 s10, $0x1;
	s10 =	sld [smem:$0x3FB0];
	_ =	sdelay $0x3  }
0x37: {  	[smem:$0x3FB0] =	sst s10  }
0x38: {  	s10 =	sld [smem:$0x3FB1]  }
0x39: {  	_ = 	snop;
	(pc) =	sbr.ind lr, $3  }
0x3a: {  	_ = 	snop  }
0x3b: {  	_ = 	snop  }
0x3c: {  	p2 =	seq.s32 s10, $0x1;
	s10 =	sld [smem:$0x3FB0]  }
0x3d: {  	_ =	shalt  }
0x3e: {  	_ =	shalt  }
0x3f: {  	_ =	shalt  }
0x40: {  	_ =	shalt  }
0x41: {  	_ =	shalt  }
0x42: {  	_ =	shalt  }
0x43: {  	_ =	shalt  }
0x44: {  	_ =	shalt  }
0x45: {  	_ =	shalt  }
0x46: {  	_ =	shalt  }
0x47: {  	_ =	shalt  }
0x48: {  	_ =	shalt  }
0x49: {  	_ =	shalt  }
0x4a: {  	_ =	shalt  }
0x4b: {  	_ =	shalt  }
0x4c: {  	_ =	shalt  }
0x4d: {  	_ =	shalt  }
0x4e: {  	_ =	shalt  }
0x4f: {  	_ =	shalt  }
0x50: {  	_ =	shalt  }
0x51: {  	_ =	shalt  }
0x52: {  	_ =	shalt  }
0x53: {  	_ =	shalt  }
0x54: {  	_ =	shalt  }
0x55: {  	_ =	shalt  }
0x56: {  	_ =	shalt  }
0x57: {  	_ =	shalt  }
0x58: {  	_ =	shalt  }
0x59: {  	_ =	shalt  }
0x5a: {  	_ =	shalt  }
0x5b: {  	_ =	shalt  }
0x5c: {  	_ =	shalt  }
0x5d: {  	_ =	shalt  }
0x5e: {  	_ =	shalt  }
0x5f: {  	_ =	shalt  }
0x60: {  	_ =	shalt  }
0x61: {  	_ =	shalt  }
0x62: {  	_ =	shalt  }
0x63: {  	_ =	shalt  }
0x64: {  	_ =	shalt  }
0x65: {  	_ =	shalt  }
0x66: {  	_ =	shalt  }
0x67: {  	_ =	shalt  }
0x68: {  	_ =	shalt  }
0x69: {  	_ =	shalt  }
0x6a: {  	_ =	shalt  }
0x6b: {  	_ =	shalt  }
0x6c: {  	_ =	shalt  }
0x6d: {  	_ =	shalt  }
0x6e: {  	_ =	shalt  }
0x6f: {  	_ =	shalt  }
0x70: {  	_ =	shalt  }
0x71: {  	_ =	shalt  }
0x72: {  	_ =	shalt  }
0x73: {  	_ =	shalt  }
0x74: {  	_ =	shalt  }
0x75: {  	_ =	shalt  }
0x76: {  	_ =	shalt  }
0x77: {  	_ =	shalt  }
0x78: {  	_ =	shalt  }
0x79: {  	_ =	shalt  }
0x7a: {  	_ =	shalt  }
0x7b: {  	_ =	shalt  }
0x7c: {  	_ =	shalt  }
0x7d: {  	_ =	shalt  }
0x7e: {  	_ =	shalt  }
0x7f: {  	_ =	shalt  }
0x80: {  	_ =	shalt  }
0x81: {  	_ =	shalt  }
0x82: {  	_ =	shalt  }
0x83: {  	_ =	shalt  }
0x84: {  	_ =	shalt  }
0x85: {  	_ =	shalt  }
0x86: {  	_ =	shalt  }
0x87: {  	_ =	shalt  }
.Lfunc_end0:
.L_simem_size_0:
called_computation.1_lowered:
.L_overlay_start_0:
0x88: {  	s2 =	sld [smem:$0x3FD9]  }
0x89: {  	s3 =	sld [smem:$0x3FFE];
	_ =	sdelay $0x1  }
0x8a: {  	s1 =	srdreg.scid  }
0x8b: {  	s0 =	sand.u32 $0x1, s1  }
0x8c: {  	s14 =	sshll.u32 s0, $0xA;
	s2 =	sadd.s32 s3, s2  }
0x8d: {  	s2 =	sadd.s32 s2, s14  }
0x8e: {  	[smem:$0x3FBC] =	sst s2  }
0x8f: {  	_ = 	snop  }
0x90: {  	s2 =	sld [smem:$0x3FD0];
	_ =	sdelay $0x2  }
0x91: {  	s15 =	simm.s32 $0xA;
	s4 =	simm.s32 $0x10  }
0x92: {  	[smem:s4], [sflag:s15] =	dma.local [hbm:s2], $0x1  }
0x93: {  	_ =	swait.eq [sflag:s15], $0x1  }
0x94: {  	[sflag:s15] =	ssyncset.done $0x0  }
0x95: {  	s16 =	sld [smem:$0x10];
	[sflag:s15] =	ssyncadd.s32 $0xFFFFFFFF  }
0x96: {  	s17 =	sld [smem:$0x11];
	(tm) =	ssettm $0x1  }
0x97: {  	s18 =	sld [smem:$0x3FFB];
	_ =	sdelay $0x3  }
0x98: {  	_ =	strace s18  }
0x99: {  	s4 =	sld [smem:$0x3FFC];
	_ =	sdelay $0x3  }
0x9a: {  	_ =	strace s4  }
0x9b: {  	s4 =	sld [smem:$0x3FFD];
	_ =	sdelay $0x3  }
0x9c: {  	_ =	strace s4  }
0x9d: {  	_ =	strace $0x8FFFFFFF  }
0x9e: {  	s19 =	sld [smem:$0x3FDB];
	_ =	sdelay $0x1  }
0x9f: {  	s5 =	simm.s32 $_scs_section_size  }
0xa0: {  	s6 =	simm.s32 $_size__tile_overlayer_lowered;
	s7 =	simm.s32 $_tile_overlayer_lowered  }
0xa1: {  	s22 =	simm.s32 $0x1BFF;
	s21 =	sshll.u32 s7, $0x1;
	s4 =	sadd.s32 s5, s19  }
0xa2: {  	s8 =	simm.s32 $0x0;
	s20 =	sshll.u32 s6, $0x1;
	s6 =	sadd.s32 s21, s4  }
0xa3: {  	[timem:s8], [sflag:s22] =	dma.local [hbm:s6], s20  }
0xa4: {  	_ =	swait.ge [sflag:s22], s20  }
0xa5: {  	s5 =	ssub.s32 $0x0, s20;
	[sflag:s22] =	ssyncset.done $0x0  }
0xa6: {  	[sflag:s22] =	ssyncadd.s32 s5;
	_ =	sdelay $0x1  }
0xa7: {  	s23 =	simm.s32 $0x1B8B  }
0xa8: {  	_ =	swait.ge [sflag:s23], $0x1  }
0xa9: {  	[sflag:s23] =	ssyncset.done $0x0  }
0xaa: {  	s25 =	simm.s32 $0x1B8E;
	s24 =	sld [smem:$0x3FFE];
	[sflag:s23] =	ssyncadd.s32 $0xFFFFFFFF  }
0xab: {  	s26 =	simm.s32 $execute0_lowered;
	[smem:$0x3FD2] =	sst s25  }
0xac: {  	s6 =	sshll.u32 s26, $0x1;
	_ =	strace $0x80000049;
	[dreg:$0x1] =	wrdreg $0xFFFFFFFF  }
0xad: {  	s28 =	simm.s32 $_size_execute0_lowered;
	s4 =	sadd.s32 s4, s6;
	[dreg:$0x0] =	wrdreg $0x0  }
0xae: {  	s6 =	sshll.u32 s28, $0x1;
	[dreg:$0x2] =	wrdreg s4  }
0xaf: {  	[dreg:$0x3] =	wrdreg s6  }
0xb0: {  	[dreg:$0x4] =	wrdreg $0xC0  }
0xb1: {  	_ =	task [dreg:s8], $0x5FFFF  }
0xb2: {  	[dreg:$0x1] =	wrdreg $0xFFFFFFFF  }
0xb3: {  	[dreg:$0x0] =	wrdreg $0x60  }
0xb4: {  	[dreg:$0x2] =	wrdreg s24  }
0xb5: {  	[dreg:$0x3] =	wrdreg s16  }
0xb6: {  	[dreg:$0x4] =	wrdreg s17  }
0xb7: {  	[dreg:$0x5] =	wrdreg $0x0  }
0xb8: {  	[dreg:$0x6] =	wrdreg $0x9  }
0xb9: {  	_ =	task.clear_ibuf [dreg:s8], $0x7FFFF;
	_ =	strace $0x90000049  }
0xba: {  	s29 =	simm.s32 $0x9;
	_ =	strace $0x8000004B  }
0xbb: {  	_ =	swait.ge [sflag:s29], $0x1  }
0xbc: {  	[sflag:s29] =	ssyncadd.s32 $0xFFFFFFFF  }
0xbd: {  	_ =	strace $0x9000004B  }
0xbe: {  	_ =	sfence  }
0xbf: {  	s30 =	sld [smem:$0x0];
	_ =	sdelay $0x2  }
0xc0: {  	s31 =	sshll.u32 s1, $0xD;
	s1 =	sshrl.u32 s1, $0x2  }
0xc1: {  	s3 =	sand.u32 $0x4000, s31;
	s1 =	sadd.s32 s1, s30  }
0xc2: {  	s0 =	sor.u32 s3, s0;
	s1 =	sshll.u32 s1, $0x11  }
0xc3: {  	s0 =	sor.u32 s1, s0  }
0xc4: {  	s0 =	sadd.s32 $0x8F2B, s0  }
0xc5: {  	[sflag:s0] =	ssyncadd.remote.s32 $0x1  }
0xc6: {  	_ =	sfence.sel $0xFFFF  }
0xc7: {  	[dreg:$0x0] =	wrdreg $0xFFFFFFFF;
	(pc) =	sbr.abs _section_cstart, $3  }
0xc8: {  	[dreg:$0x1] =	wrdreg $0xFFFFFFFF  }
0xc9: {  	_ =	task.clear_ibuf [dreg:s8], $0x2FFFF;
	_ =	strace $0x9FFFFFFF  }
0xca: {  	(tm) =	ssettm $0x7FFFFFFF  }
0xcb: {  	_ =	shalt  }
tec
execute0_lowered:
.L_overlay_start_1:
0x0: {  	(tag) =	ssettag $0x1  }
0x1: {  	s6 =	rddreg [dreg:$0x0]  }
0x2: {  	s7 =	rddreg [dreg:$0x1]  }
0x3: {  	s2 =	rddreg [dreg:$0x2]  }
0x4: {  	s3 =	rddreg [dreg:$0x3];
	s4 =	srdreg.scid  }
0x5: {  	s1 =	stileid.u32;
	s0 =	rddreg [dreg:$0x4];
	s15 =	simm.s32 $0x50  }
0x6: {  	s16 =	simm.s32 $0x18E20;
	s17 =	simm.s32 $0x1B620;
	s18 =	simm.s32 $0x1  }
0x7: {  	s19 =	simm.s32 $0x3;
	s20 =	simm.s32 $0x2;
	s21 =	simm.s32 $0x4  }
0x8: {  	s22 =	simm.s32 $0x18DD0;
	s23 =	simm.s32 $0x0;
	s8 =	sand.u32 $0x1, s4  }
0x9: {  	s9 =	smul.u32 $0x14000, s1;
	s4 =	simm.s32 $0x0;
	s31 =	sshll.u32 s1, $0x6  }
0xa: {  	s5 =	sshll.u32 s8, $0x4;
	s10 =	smul.u32 $0x140000, s8;
	[smem:$0x7FF] =	sst s4  }
0xb: {  	s8 =	ssub.s32 $0x2, s8;
	s5 =	sor.u32 s1, s5;
	_ =	strace $0x8000004A  }
0xc: {  	s30 =	sshrl.u32 s8, $0x1;
	s14 =	sadd.s32 s9, s3;
	s11 =	smul.u32 $0x4E2, s5  }
0xd: {  	s10 =	sadd.s32 s9, s10;
	s5 =	sadd.s32 $0x5CC00, s6;
	s13 =	ssub.s32 s8, s30  }
0xe: {  	s14 =	sshrl.u32 s14, $0x3;
	s10 =	sshrl.u32 s10, $0x3;
	s9 =	smax.u32 s13, $0x1  }
0xf: {  	s13 =	sor.u32 $0x1C05, s31;
	s12 =	sadd.s32 s11, s6;
	s10 =	sadd.s32 s10, s6  }
0x10: {  	s6 =	sadd.s32 s7, s11;
	s11 =	simm.s32 $0x5;
	s7 =	sadd.s32 $0x2E00, s12  }
0x11: {  	s8 =	sadd.s32 $0x83E00, s10;
	s10 =	simm.s32 $0x14000;
	s12 =	simm.s32 $0x16710  }
.LBB2_1:
0x12: {  	[tilespmem:s10], [sflag:$0x5] =	stream.linear.gather [hbm4b:s6+s4], $0x2710, $0x38;
	[tilespmem:$0x1DE20] =	vst v63  }
0x13: {  	_ =	swait.ge [sflag:s11], $0x2710  }
0x14: {  	[sflag:s11] =	ssyncset.done $0x0  }
0x15: {  	[sflag:s11] =	ssyncadd.s32 $0xFFFFD8F0  }
0x16: {  	[tilespmem:s12], [sflag:$0x5] =	stream.linear.gather [hbm4b:s7+s4], $0x2710, $0x38;
	[tilespmem:$0x1DE20] =	vst v63  }
0x17: {  	_ =	swait.ge [sflag:s11], $0x2710  }
0x18: {  	[sflag:s11] =	ssyncset.done $0x0  }
0x19: {  	[sflag:s11] =	ssyncadd.s32 $0xFFFFD8F0  }
0x1a: {  	[spmem:s14], [sflag:s13] =	dma.local [hbm:s2], $0x2800  }
0x1b: {  	_ =	swait.ge [sflag:s11], $0x2800  }
0x1c: {  	[sflag:s11] =	ssyncset.done $0x0  }
0x1d: {  	[sflag:s11] =	ssyncadd.s32 $0xFFFFD800  }
0x1e: {  	[bflag:$0x0] =	sbarrier.arrive $0xFFFF  }
0x1f: {  	[tilespmem:s16], [sflag:$0x1] =	stream.indirect.gather [hbm4b:s5+s15], $0x80, s10, s15, $0xb8;
	[tilespmem:$0x1DE20] =	vst v63  }
0x20: {  	s24 =	simm.s32 $0x14050  }
0x21: {  	[tilespmem:s17], [sflag:$0x2] =	stream.indirect.gather [hbm4b:s5+s15], $0x80, s24, s15, $0xb8;
	[tilespmem:$0x1DE20] =	vst v63  }
0x22: {  	_ =	swait.ge [sflag:s18], $0x2800  }
0x23: {  	[sflag:s18] =	ssyncset.done $0x0  }
0x24: {  	s29 =	simm.s32 $0x16710;
	[sflag:s18] =	ssyncadd.s32 $0xFFFFD800  }
0x25: {  	[spmem:s3] =	stream.indirect.scatter.add.f32 [tilespmem:s16], [sflag:$0x3], $0x80, s29, s15, $0xb8;
	[tilespmem:$0x1DE20] =	vst v63  }
0x26: {  	_ =	swait.ge [sflag:s19], $0x2800  }
0x27: {  	[sflag:s19] =	ssyncset.done $0x0  }
0x28: {  	s30 =	simm.s32 $0x140A0;
	[sflag:s19] =	ssyncadd.s32 $0xFFFFD800  }
0x29: {  	[tilespmem:s16], [sflag:$0x1] =	stream.indirect.gather [hbm4b:s5+s15], $0x80, s30, s15, $0xb8;
	[tilespmem:$0x1DE20] =	vst v63  }
0x2a: {  	_ =	swait.ge [sflag:s20], $0x2800  }
0x2b: {  	[sflag:s20] =	ssyncset.done $0x0  }
0x2c: {  	s31 =	simm.s32 $0x16760;
	[sflag:s20] =	ssyncadd.s32 $0xFFFFD800  }
0x2d: {  	[spmem:s3] =	stream.indirect.scatter.add.f32 [tilespmem:s17], [sflag:$0x4], $0x80, s31, s15, $0xb8;
	[tilespmem:$0x1DE20] =	vst v63  }
0x2e: {  	_ =	swait.ge [sflag:s21], $0x2800  }
0x2f: {  	s25 =	simm.s32 $0x500;
	s24 =	simm.s32 $0xA0;
	[sflag:s21] =	ssyncset.done $0x0  }
.LBB2_2:
0x30: {  	s26 =	sadd.s32 $0x14050, s24  }
0x31: {  	[sflag:s21] =	ssyncadd.s32 $0xFFFFD800;
	s28 =	smov.u32 s25;
	s29 =	sadd.s32 $0x280, s25  }
0x32: {  	[tilespmem:s17], [sflag:$0x2] =	stream.indirect.gather [hbm4b:s5+s15], $0x80, s26, s15, $0xb8;
	[tilespmem:$0x1DE20] =	vst v63  }
0x33: {  	p0 =	sne.s32 s25, $0x9880;
	_ =	swait.ge [sflag:s18], $0x2800  }
0x34: {  	[sflag:s18] =	ssyncset.done $0x0  }
0x35: {  	s25 =	sadd.s32 $0x16710, s24;
	[sflag:s18] =	ssyncadd.s32 $0xFFFFD800  }
0x36: {  	[spmem:s3] =	stream.indirect.scatter.add.f32 [tilespmem:s16], [sflag:$0x3], $0x80, s25, s15, $0xb8;
	[tilespmem:$0x1DE20] =	vst v63  }
0x37: {  	_ =	swait.ge [sflag:s19], $0x2800  }
0x38: {  	[sflag:s19] =	ssyncset.done $0x0  }
0x39: {  	s25 =	sadd.s32 $0x140A0, s24;
	[sflag:s19] =	ssyncadd.s32 $0xFFFFD800  }
0x3a: {  	[tilespmem:s16], [sflag:$0x1] =	stream.indirect.gather [hbm4b:s5+s15], $0x80, s25, s15, $0xb8;
	[tilespmem:$0x1DE20] =	vst v63  }
0x3b: {  	_ =	swait.ge [sflag:s20], $0x2800  }
.Ltmp0:
0x3c: {  	[sflag:s20] =	ssyncset.done $0x0;
	(pc) =	sbr.rel @p0 .LBB2_2-.Ltmp0, $4  }
0x3d: {  	s24 =	sadd.s32 $0x16760, s24;
	[sflag:s20] =	ssyncadd.s32 $0xFFFFD800  }
0x3e: {  	[spmem:s3] =	stream.indirect.scatter.add.f32 [tilespmem:s17], [sflag:$0x4], $0x80, s24, s15, $0xb8;
	[tilespmem:$0x1DE20] =	vst v63  }
0x3f: {  	_ =	swait.ge [sflag:s21], $0x2800  }
0x40: {  	s25 =	smov.u32 s29;
	s24 =	sshra.s32 s28, $0x2;
	[sflag:s21] =	ssyncset.done $0x0  }
0x41: {  	s25 =	sadd.s32 $0x14050, s24;
	[sflag:s21] =	ssyncadd.s32 $0xFFFFD800  }
0x42: {  	[tilespmem:s17], [sflag:$0x2] =	stream.indirect.gather [hbm4b:s5+s15], $0x80, s25, s15, $0xb8;
	[tilespmem:$0x1DE20] =	vst v63  }
0x43: {  	_ =	swait.ge [sflag:s18], $0x2800  }
0x44: {  	[sflag:s18] =	ssyncset.done $0x0  }
0x45: {  	s29 =	sadd.s32 $0x16710, s24;
	[sflag:s18] =	ssyncadd.s32 $0xFFFFD800  }
0x46: {  	[spmem:s3] =	stream.indirect.scatter.add.f32 [tilespmem:s16], [sflag:$0x3], $0x80, s29, s15, $0xb8;
	[tilespmem:$0x1DE20] =	vst v63  }
0x47: {  	_ =	swait.ge [sflag:s19], $0x2800  }
0x48: {  	[sflag:s19] =	ssyncset.done $0x0  }
0x49: {  	s30 =	sadd.s32 $0x140A0, s24;
	[sflag:s19] =	ssyncadd.s32 $0xFFFFD800  }
0x4a: {  	[tilespmem:s16], [sflag:$0x1] =	stream.indirect.gather [hbm4b:s5+s15], $0x80, s30, s15, $0xb8;
	[tilespmem:$0x1DE20] =	vst v63  }
0x4b: {  	_ =	swait.ge [sflag:s20], $0x2800  }
0x4c: {  	[sflag:s20] =	ssyncset.done $0x0  }
0x4d: {  	s31 =	sadd.s32 $0x16760, s24;
	[sflag:s20] =	ssyncadd.s32 $0xFFFFD800  }
0x4e: {  	[spmem:s3] =	stream.indirect.scatter.add.f32 [tilespmem:s17], [sflag:$0x4], $0x80, s31, s15, $0xb8;
	[tilespmem:$0x1DE20] =	vst v63  }
0x4f: {  	_ =	swait.ge [sflag:s21], $0x2800  }
0x50: {  	[sflag:s21] =	ssyncset.done $0x0  }
0x51: {  	[sflag:s21] =	ssyncadd.s32 $0xFFFFD800  }
0x52: {  	[tilespmem:s17], [sflag:$0x2] =	stream.indirect.gather [hbm4b:s5+s15], $0x80, s10, s15, $0xb8;
	[tilespmem:$0x1DE20] =	vst v63  }
0x53: {  	_ =	swait.ge [sflag:s18], $0x2800  }
0x54: {  	[sflag:s18] =	ssyncset.done $0x0  }
0x55: {  	[sflag:s18] =	ssyncadd.s32 $0xFFFFD800  }
0x56: {  	[spmem:s3] =	stream.indirect.scatter.add.f32 [tilespmem:s16], [sflag:$0x3], $0x80, s22, s15, $0xb8;
	[tilespmem:$0x1DE20] =	vst v63  }
0x57: {  	_ =	swait.ge [sflag:s19], $0x2800  }
0x58: {  	[sflag:s19] =	ssyncset.done $0x0  }
0x59: {  	[sflag:s19] =	ssyncadd.s32 $0xFFFFD800  }
0x5a: {  	_ =	swait.ge [sflag:s20], $0x2800  }
0x5b: {  	s23 =	sadd.s32 $0x1, s23;
	[sflag:s20] =	ssyncset.done $0x0  }
0x5c: {  	p0 =	sne.s32 s23, s9;
	[sflag:s20] =	ssyncadd.s32 $0xFFFFD800  }
.Ltmp1:
0x5d: {  	[bflag:$0x0] =	sbarrier.arrive $0xFFFF;
	(pc) =	sbr.rel @p0 .LBB2_1-.Ltmp1, $4  }
0x5e: {  	[hbm:s8], [sflag:s13] =	dma.local [spmem:s14], $0x2800  }
0x5f: {  	_ =	swait.ge [sflag:s11], $0x2800  }
0x60: {  	[sflag:s11] =	ssyncset.done $0x0  }
0x61: {  	[sflag:s11] =	ssyncadd.s32 $0xFFFFD800  }
0x62: {  	_ =	sfence.sel $0x180000  }
0x63: {  	[bflag:$0x0] =	sbarrier.arrive $0xFFFF  }
0x64: {  	p0 =	sne.s32 s1, $0x0;
	_ =	strace $0x9000004A  }
0x65: {  	s0 =	sadd.s32 @!p0 $0x100000, s0;
	[bflag:$0x2] =	sbarrier.arrive $0xFFFF  }
0x66: {  	[sflag:s0] =	ssyncadd.tile.s32 @!p0 $0x1;
	_ =	shalt  }
.Lfunc_end2:
_tile_overlayer_lowered:
.L_overlay_start_2:
0x67: {  	(tag) =	ssettag $0x2  }
0x68: {  	s0 =	rddreg [dreg:$0x0];
	s2 =	stileid.u32  }
0x69: {  	s1 =	rddreg [dreg:$0x1];
	p0 =	sne.s32 s2, $0x0  }
0x6a: {  	s3 =	rddreg [dreg:$0x2];
	[bflag:$0x3] =	sbarrier.arrive $0xFFFF;
	s2 =	simm.s32 @!p0 $0x1C05  }
0x6b: {  	[timem:s3], [sflag:s2] =	dma.local @!p0 [hbm:s0], s1  }
0x6c: {  	s0 =	simm.s32 @!p0 $0x5  }
0x6d: {  	_ =	swait.ge @!p0 [sflag:s0], s1  }
0x6e: {  	s1 =	ssub.s32 @!p0 $0x0, s1;
	[sflag:s0] =	ssyncset.done @!p0 $0x0  }
0x6f: {  	[sflag:s0] =	ssyncadd.s32 @!p0 s1  }
0x70: {  	[bflag:$0x3] =	sbarrier.arrive $0xFFFF  }
0x71: {  	_ =	shalt  }

</sc_bundles>
